<compile_context>
chip_gen: v7x
topology: tpu7x:2x2x1
jax: 0.10.2.dev20260603
libtpu: 0.0.44.dev20260713+nightly
codegen_flags: <defaults>
</compile_context>

<pallas_src>
import dataclasses
import functools

import jax
import jax.numpy as jnp
from jax import lax
from jax.experimental import pallas as pl
from jax.experimental.pallas import tpu as pltpu
from jax.experimental.pallas import tpu_sc as plsc

G = 64
C = 2
D = 64
H = 64
W = 64
B = 131072

NC = 2
NS = 16
LANES = 16
NW = NC * NS
BPW = B // NW
TB = 256
NTILES = BPW // TB
NCHUNK = TB // LANES


def _floor_vec(v):
    t = v.astype(jnp.int32).astype(jnp.float32)
    return t - jnp.where(t > v, 1.0, 0.0).astype(jnp.float32)


def _axis_weights(coord, n):
    i = (coord + 1.0) * (0.5 * (n - 1))
    i = jnp.minimum(jnp.maximum(i, -2.0), float(n + 2))
    f = _floor_vec(i)
    frac = i - f
    one = jnp.float32(1.0)
    zero = jnp.float32(0.0)
    in0 = jnp.where((f >= 0.0) & (f <= n - 1.0), one, zero)
    in1 = jnp.where((f >= -1.0) & (f <= n - 2.0), one, zero)
    w0 = (one - frac) * in0
    w1 = frac * in1
    neg = f < 0.0
    s0 = jnp.where(neg, w1, w0)
    s1 = jnp.where(neg, zero, w1)
    cell = jnp.minimum(jnp.maximum(f, 0.0), n - 1.0).astype(jnp.int32)
    return cell, s0, s1


def _sc_interp(table, tpx, tpy, tpz):
    mesh = plsc.VectorSubcoreMesh(core_axis_name="c", subcore_axis_name="s")
    cp = pltpu.CompilerParams()
    if "needs_layout_passes" in pltpu.CompilerParams.__dataclass_fields__:
        cp = dataclasses.replace(cp, needs_layout_passes=False)
    if "use_tc_tiling_on_sc" in pltpu.CompilerParams.__dataclass_fields__:
        cp = dataclasses.replace(cp, use_tc_tiling_on_sc=False)

    @functools.partial(
        pl.kernel,
        out_type=jax.ShapeDtypeStruct((B, G * C), jnp.float32),
        mesh=mesh,
        compiler_params=cp,
        scratch_types=[
            pltpu.VMEM((TB,), jnp.float32),
            pltpu.VMEM((TB,), jnp.float32),
            pltpu.VMEM((TB,), jnp.float32),
            pltpu.VMEM((6, TB), jnp.float32),
            pltpu.VMEM((2, TB // 2), jnp.int32),
            pltpu.VMEM((TB, 16), jnp.float32),
            pltpu.VMEM((TB, G * C), jnp.float32),
            pltpu.SemaphoreType.DMA,
            pltpu.SemaphoreType.DMA,
        ],
    )
    def k(tab_hbm, tpx_hbm, tpy_hbm, tpz_hbm, out_hbm,
          cx, cy, cz, wbuf, idxbuf, gbuf, obuf, csem, gsem):
        wid = lax.axis_index("s") * NC + lax.axis_index("c")
        base = wid * BPW
        iota = lax.iota(jnp.int32, LANES)

        @pl.loop(0, NTILES)
        def _tile(bt):
            boff = base + bt * TB

            @pl.loop(0, G)
            def _grid(g):
                c1 = pltpu.async_copy(tpx_hbm.at[g, pl.ds(boff, TB)], cx, csem)
                c2 = pltpu.async_copy(tpy_hbm.at[g, pl.ds(boff, TB)], cy, csem)
                c3 = pltpu.async_copy(tpz_hbm.at[g, pl.ds(boff, TB)], cz, csem)
                c1.wait()
                c2.wait()
                c3.wait()

                goff = g * (D * H * W)

                @pl.loop(0, NCHUNK)
                def _idx(ci):
                    sl = pl.ds(ci * LANES, LANES)
                    xc, sx0, sx1 = _axis_weights(cx[sl], W)
                    yc, sy0, sy1 = _axis_weights(cy[sl], H)
                    zc, sz0, sz1 = _axis_weights(cz[sl], D)
                    idx = goff + (
                        lax.shift_left(zc, 12)
                        + lax.shift_left(yc, 6)
                        + xc
                    )
                    idxbuf[ci // 8, pl.ds((ci % 8) * LANES, LANES)] = idx
                    wbuf[0, sl] = sx0
                    wbuf[1, sl] = sx1
                    wbuf[2, sl] = sy0
                    wbuf[3, sl] = sy1
                    wbuf[4, sl] = sz0
                    wbuf[5, sl] = sz1

                g1 = pltpu.async_copy(
                    tab_hbm.at[idxbuf.at[0]], gbuf.at[pl.ds(0, TB // 2)], gsem)
                g2 = pltpu.async_copy(
                    tab_hbm.at[idxbuf.at[1]], gbuf.at[pl.ds(TB // 2, TB // 2)], gsem)
                g1.wait()
                g2.wait()

                @pl.loop(0, NCHUNK)
                def _reduce(ci):
                    sl = pl.ds(ci * LANES, LANES)
                    sx0 = wbuf[0, sl]
                    sx1 = wbuf[1, sl]
                    sy0 = wbuf[2, sl]
                    sy1 = wbuf[3, sl]
                    sz0 = wbuf[4, sl]
                    sz1 = wbuf[5, sl]
                    w00 = sz0 * sy0
                    w01 = sz0 * sy1
                    w10 = sz1 * sy0
                    w11 = sz1 * sy1
                    wc = (w00 * sx0, w00 * sx1, w01 * sx0, w01 * sx1,
                          w10 * sx0, w10 * sx1, w11 * sx0, w11 * sx1)
                    rows = iota + ci * LANES
                    acc0 = jnp.zeros((LANES,), jnp.float32)
                    acc1 = jnp.zeros((LANES,), jnp.float32)
                    for corner in range(8):
                        col0 = jnp.full((LANES,), 2 * corner, jnp.int32)
                        col1 = jnp.full((LANES,), 2 * corner + 1, jnp.int32)
                        v0 = plsc.load_gather(gbuf, [rows, col0])
                        v1 = plsc.load_gather(gbuf, [rows, col1])
                        acc0 = acc0 + wc[corner] * v0
                        acc1 = acc1 + wc[corner] * v1
                    oc0 = jnp.full((LANES,), 2 * g, jnp.int32)
                    oc1 = jnp.full((LANES,), 2 * g + 1, jnp.int32)
                    plsc.store_scatter(obuf, [rows, oc0], acc0)
                    plsc.store_scatter(obuf, [rows, oc1], acc1)

            pltpu.sync_copy(obuf, out_hbm.at[pl.ds(boff, TB)])

    return k(table, tpx, tpy, tpz)


@jax.jit
def kernel(x, transformation_matrices, feature_grids):
    tm = transformation_matrices
    pts = jnp.concatenate(
        [x, jnp.ones((x.shape[0], 1), dtype=x.dtype)], axis=1)
    tp = jnp.einsum("gij,bj->gib", tm[:, 0:3, :], pts)
    tpx = tp[:, 0, :]
    tpy = tp[:, 1, :]
    tpz = tp[:, 2, :]

    fgt = jnp.transpose(feature_grids, (0, 2, 3, 4, 1))

    def shift(a, axis):
        n = a.shape[axis]
        lead = lax.slice_in_dim(a, 1, n, axis=axis)
        edge = lax.slice_in_dim(a, n - 1, n, axis=axis)
        return jnp.concatenate([lead, edge], axis=axis)

    slots = []
    for zo in range(2):
        az = fgt if zo == 0 else shift(fgt, 1)
        for yo in range(2):
            ay = az if yo == 0 else shift(az, 2)
            for xo in range(2):
                ax = ay if xo == 0 else shift(ay, 3)
                slots.append(ax)
    table = jnp.stack(slots, axis=4)
    table = table.reshape(G * D * H * W, 16)

    return _sc_interp(table, tpx, tpy, tpz)

# --- scband reference (transcript-rebuilt; emitter-appended) ---
"""Pipeline reference for scband-amg-encoder-60215441490082 (READ-ONLY COPY).

The authoritative reference and input builder live on the scoring server;
editing this copy changes nothing except your own understanding.
"""

import jax, jax.numpy as jnp
import numpy as np

G = 64
C = 2
D = 64
H = 64
W = 64
B = 131072

def setup_inputs(seed: int = 0) -> dict:
    key = jax.random.key(seed)
    k1, k2, k3 = jax.random.split(key, 3)
    x = jax.random.uniform(k1, (B, 3), dtype=jnp.float32)
    eye = jnp.eye(4, dtype=jnp.float32)
    tm = jnp.tile(eye[None], (G, 1, 1))
    r = jax.random.uniform(k2, (G, 3, 4), dtype=jnp.float32) * 0.1
    tm = tm.at[:, 0:3, :].add(r)
    tm = tm @ jnp.swapaxes(tm, -1, -2)
    tm = tm.at[:, 3, 0:3].set(0.0)
    fg = jax.random.uniform(k3, (G, C, D, H, W), dtype=jnp.float32, minval=-1e-4, maxval=1e-4)
    return {"x": x, "transformation_matrices": tm, "feature_grids": fg}

def _transform(x, tm):
    ones = jnp.ones((x.shape[0], 1), dtype=x.dtype)
    pts = jnp.concatenate([x, ones], axis=1)
    tp = jnp.einsum('gij,bj->gbi', tm, pts)
    return tp[..., :3]

def _grid_sample_3d(grids, coords):
    # grids: [G, C, D, H, W]; coords: [G, B, 3] with channels (x, y, z)
    # Faithful to torch grid_sample(mode='bilinear', align_corners=True, padding_mode='zeros')
    Gn, Cn, Dn, Hn, Wn = grids.shape
    ix = (coords[..., 0] + 1.0) * 0.5 * (Wn - 1)
    iy = (coords[..., 1] + 1.0) * 0.5 * (Hn - 1)
    iz = (coords[..., 2] + 1.0) * 0.5 * (Dn - 1)
    x0 = jnp.floor(ix); y0 = jnp.floor(iy); z0 = jnp.floor(iz)
    x1 = x0 + 1.0; y1 = y0 + 1.0; z1 = z0 + 1.0
    wx1 = ix - x0; wx0 = 1.0 - wx1
    wy1 = iy - y0; wy0 = 1.0 - wy1
    wz1 = iz - z0; wz0 = 1.0 - wz1
    gidx = jnp.arange(Gn)[:, None]
    out = jnp.zeros((Gn, coords.shape[1], Cn), dtype=grids.dtype)
    for xi, wx in ((x0, wx0), (x1, wx1)):
        for yi, wy in ((y0, wy0), (y1, wy1)):
            for zi, wz in ((z0, wz0), (z1, wz1)):
                mask = ((xi >= 0) & (xi <= Wn - 1) & (yi >= 0) & (yi <= Hn - 1) & (zi >= 0) & (zi <= Dn - 1)).astype(grids.dtype)
                xic = jnp.clip(xi, 0, Wn - 1).astype(jnp.int32)
                yic = jnp.clip(yi, 0, Hn - 1).astype(jnp.int32)
                zic = jnp.clip(zi, 0, Dn - 1).astype(jnp.int32)
                v = grids[gidx, :, zic, yic, xic]  # [G, B, C]
                out = out + (wx * wy * wz * mask)[..., None] * v
    return out

def reference(x, transformation_matrices, feature_grids):
    # forward: transform coords under no_grad, then grid_sample on detached coords
    tp = jax.lax.stop_gradient(_transform(x, transformation_matrices))  # [G, B, 3]
    vals = _grid_sample_3d(feature_grids, tp)  # [G, B, C]
    Bn = x.shape[0]
    feats = jnp.transpose(vals, (1, 0, 2)).reshape(Bn, -1)  # [B, G*C]
    return feats

if __name__ == "__main__":
    import jax
    _d = setup_inputs()
    print(jax.jit(kernel)(*tuple(_d.values())))

</pallas_src>

<mosaic_0001>
#map = affine_map<(d0, d1) -> (0, 0)>
module attributes {stable_mosaic.version = 14 : i64} {
  func.func @k(%arg0: i32, %arg1: i32, %arg2: memref<16777216x16xf32, #tpu.memory_space<hbm>>, %arg3: memref<64x131072xf32, #tpu.memory_space<hbm>>, %arg4: memref<64x131072xf32, #tpu.memory_space<hbm>>, %arg5: memref<64x131072xf32, #tpu.memory_space<hbm>>, %arg6: memref<131072x128xf32, #tpu.memory_space<hbm>>, %arg7: memref<256xf32, #tpu.memory_space<vmem>>, %arg8: memref<256xf32, #tpu.memory_space<vmem>>, %arg9: memref<256xf32, #tpu.memory_space<vmem>>, %arg10: memref<6x256xf32, #tpu.memory_space<vmem>>, %arg11: memref<2x128xi32, #tpu.memory_space<vmem>>, %arg12: memref<256x16xf32, #tpu.memory_space<vmem>>, %arg13: memref<256x128xf32, #tpu.memory_space<vmem>>, %arg14: memref<!tpu.dma_semaphore, #tpu.memory_space<semaphore_mem>>, %arg15: memref<!tpu.dma_semaphore, #tpu.memory_space<semaphore_mem>>) attributes {dimension_semantics = [#tpu.dimension_semantics<core_parallel>, #tpu.dimension_semantics<subcore_parallel>], iteration_bounds = array<i64: 2, 16>, scalar_prefetch = 0 : i64, scratch_operands = 9 : i64, tpu.core_type = #tpu.core_type<sc_vector_subcore>, window_params = [{transform_indices = #map}, {transform_indices = #map}, {transform_indices = #map}, {transform_indices = #map}, {transform_indices = #map}]} {
    %mul3A = arith.constant 2 : i32
    %mul3A_0 = arith.muli %arg1, %mul3A : i32
    %add3A = arith.addi %mul3A_0, %arg0 : i32
    %mul3A_1 = arith.constant 4096 : i32
    %mul3A_2 = arith.muli %add3A, %mul3A_1 : i32
    %iota3A = tpu.iota {dimensions = array<i32: 0>} : vector<16xi32>
    %scan3A = arith.constant 0 : i32
    %scan3A_3 = arith.constant 16 : i32
    %scan3A_4 = arith.addi %scan3A, %scan3A_3 : i32
    %scan3A_5 = arith.constant 1 : i32
    scf.for %scan3A_7 = %scan3A to %scan3A_4 step %scan3A_5  : i32 {
      %mul3A_8 = arith.constant 1 : i32
      %mul3A_9 = arith.muli %scan3A_7, %mul3A_8 : i32
      %add3A_10 = arith.constant 0 : i32
      %add3A_11 = arith.addi %add3A_10, %mul3A_9 : i32
      %mul3A_12 = arith.constant 256 : i32
      %mul3A_13 = arith.muli %add3A_11, %mul3A_12 : i32
      %add3A_14 = arith.addi %mul3A_2, %mul3A_13 : i32
      %scan3A_15 = arith.constant 0 : i32
      %scan3A_16 = arith.constant 64 : i32
      %scan3A_17 = arith.addi %scan3A_15, %scan3A_16 : i32
      %scan3A_18 = arith.constant 1 : i32
      scf.for %scan3A_20 = %scan3A_15 to %scan3A_17 step %scan3A_18  : i32 {
        %mul3A_21 = arith.constant 1 : i32
        %mul3A_22 = arith.muli %scan3A_20, %mul3A_21 : i32
        %add3A_23 = arith.constant 0 : i32
        %add3A_24 = arith.addi %add3A_23, %mul3A_22 : i32
        %dma_start3A = tpu.memref_slice %arg3[%add3A_24, %add3A_14] : memref<64x131072xf32, #tpu.memory_space<hbm>> -> memref<1x256xf32, #tpu.memory_space<hbm>>
        %dma_start3A_25 = tpu.memref_squeeze %dma_start3A : memref<1x256xf32, #tpu.memory_space<hbm>> -> memref<256xf32, #tpu.memory_space<hbm>>
        %dma_start3A_26 = tpu.memref_slice %arg3[%add3A_24, %add3A_14] : memref<64x131072xf32, #tpu.memory_space<hbm>> -> memref<1x256xf32, #tpu.memory_space<hbm>>
        %dma_start3A_27 = tpu.memref_squeeze %dma_start3A_26 : memref<1x256xf32, #tpu.memory_space<hbm>> -> memref<256xf32, #tpu.memory_space<hbm>>
        tpu.enqueue_dma source(%dma_start3A_27 : memref<256xf32, #tpu.memory_space<hbm>>) target(%arg7 : memref<256xf32, #tpu.memory_space<vmem>>) target_semaphore(%arg14 : memref<!tpu.dma_semaphore, #tpu.memory_space<semaphore_mem>>)
        %dma_start3A_28 = tpu.memref_slice %arg4[%add3A_24, %add3A_14] : memref<64x131072xf32, #tpu.memory_space<hbm>> -> memref<1x256xf32, #tpu.memory_space<hbm>>
        %dma_start3A_29 = tpu.memref_squeeze %dma_start3A_28 : memref<1x256xf32, #tpu.memory_space<hbm>> -> memref<256xf32, #tpu.memory_space<hbm>>
        %dma_start3A_30 = tpu.memref_slice %arg4[%add3A_24, %add3A_14] : memref<64x131072xf32, #tpu.memory_space<hbm>> -> memref<1x256xf32, #tpu.memory_space<hbm>>
        %dma_start3A_31 = tpu.memref_squeeze %dma_start3A_30 : memref<1x256xf32, #tpu.memory_space<hbm>> -> memref<256xf32, #tpu.memory_space<hbm>>
        tpu.enqueue_dma source(%dma_start3A_31 : memref<256xf32, #tpu.memory_space<hbm>>) target(%arg8 : memref<256xf32, #tpu.memory_space<vmem>>) target_semaphore(%arg14 : memref<!tpu.dma_semaphore, #tpu.memory_space<semaphore_mem>>)
        %dma_start3A_32 = tpu.memref_slice %arg5[%add3A_24, %add3A_14] : memref<64x131072xf32, #tpu.memory_space<hbm>> -> memref<1x256xf32, #tpu.memory_space<hbm>>
        %dma_start3A_33 = tpu.memref_squeeze %dma_start3A_32 : memref<1x256xf32, #tpu.memory_space<hbm>> -> memref<256xf32, #tpu.memory_space<hbm>>
        %dma_start3A_34 = tpu.memref_slice %arg5[%add3A_24, %add3A_14] : memref<64x131072xf32, #tpu.memory_space<hbm>> -> memref<1x256xf32, #tpu.memory_space<hbm>>
        %dma_start3A_35 = tpu.memref_squeeze %dma_start3A_34 : memref<1x256xf32, #tpu.memory_space<hbm>> -> memref<256xf32, #tpu.memory_space<hbm>>
        tpu.enqueue_dma source(%dma_start3A_35 : memref<256xf32, #tpu.memory_space<hbm>>) target(%arg9 : memref<256xf32, #tpu.memory_space<vmem>>) target_semaphore(%arg14 : memref<!tpu.dma_semaphore, #tpu.memory_space<semaphore_mem>>)
        %dma_wait3A = tpu.memref_slice %arg3[%add3A_24, %add3A_14] : memref<64x131072xf32, #tpu.memory_space<hbm>> -> memref<1x256xf32, #tpu.memory_space<hbm>>
        %dma_wait3A_36 = tpu.memref_squeeze %dma_wait3A : memref<1x256xf32, #tpu.memory_space<hbm>> -> memref<256xf32, #tpu.memory_space<hbm>>
        %dma_wait3A_37 = tpu.memref_slice %arg3[%add3A_24, %add3A_14] : memref<64x131072xf32, #tpu.memory_space<hbm>> -> memref<1x256xf32, #tpu.memory_space<hbm>>
        %dma_wait3A_38 = tpu.memref_squeeze %dma_wait3A_37 : memref<1x256xf32, #tpu.memory_space<hbm>> -> memref<256xf32, #tpu.memory_space<hbm>>
        tpu.wait_dma2 semaphore(%arg14 : memref<!tpu.dma_semaphore, #tpu.memory_space<semaphore_mem>>) src(%dma_wait3A_38 : memref<256xf32, #tpu.memory_space<hbm>>) dst(%arg7 : memref<256xf32, #tpu.memory_space<vmem>>)
        %dma_wait3A_39 = tpu.memref_slice %arg4[%add3A_24, %add3A_14] : memref<64x131072xf32, #tpu.memory_space<hbm>> -> memref<1x256xf32, #tpu.memory_space<hbm>>
        %dma_wait3A_40 = tpu.memref_squeeze %dma_wait3A_39 : memref<1x256xf32, #tpu.memory_space<hbm>> -> memref<256xf32, #tpu.memory_space<hbm>>
        %dma_wait3A_41 = tpu.memref_slice %arg4[%add3A_24, %add3A_14] : memref<64x131072xf32, #tpu.memory_space<hbm>> -> memref<1x256xf32, #tpu.memory_space<hbm>>
        %dma_wait3A_42 = tpu.memref_squeeze %dma_wait3A_41 : memref<1x256xf32, #tpu.memory_space<hbm>> -> memref<256xf32, #tpu.memory_space<hbm>>
        tpu.wait_dma2 semaphore(%arg14 : memref<!tpu.dma_semaphore, #tpu.memory_space<semaphore_mem>>) src(%dma_wait3A_42 : memref<256xf32, #tpu.memory_space<hbm>>) dst(%arg8 : memref<256xf32, #tpu.memory_space<vmem>>)
        %dma_wait3A_43 = tpu.memref_slice %arg5[%add3A_24, %add3A_14] : memref<64x131072xf32, #tpu.memory_space<hbm>> -> memref<1x256xf32, #tpu.memory_space<hbm>>
        %dma_wait3A_44 = tpu.memref_squeeze %dma_wait3A_43 : memref<1x256xf32, #tpu.memory_space<hbm>> -> memref<256xf32, #tpu.memory_space<hbm>>
        %dma_wait3A_45 = tpu.memref_slice %arg5[%add3A_24, %add3A_14] : memref<64x131072xf32, #tpu.memory_space<hbm>> -> memref<1x256xf32, #tpu.memory_space<hbm>>
        %dma_wait3A_46 = tpu.memref_squeeze %dma_wait3A_45 : memref<1x256xf32, #tpu.memory_space<hbm>> -> memref<256xf32, #tpu.memory_space<hbm>>
        tpu.wait_dma2 semaphore(%arg14 : memref<!tpu.dma_semaphore, #tpu.memory_space<semaphore_mem>>) src(%dma_wait3A_46 : memref<256xf32, #tpu.memory_space<hbm>>) dst(%arg9 : memref<256xf32, #tpu.memory_space<vmem>>)
        %mul3A_47 = arith.constant 262144 : i32
        %mul3A_48 = arith.muli %add3A_24, %mul3A_47 : i32
        %scan3A_49 = arith.constant 0 : i32
        %scan3A_50 = arith.constant 16 : i32
        %scan3A_51 = arith.addi %scan3A_49, %scan3A_50 : i32
        %scan3A_52 = arith.constant 1 : i32
        scf.for %scan3A_99 = %scan3A_49 to %scan3A_51 step %scan3A_52  : i32 {
          %mul3A_100 = arith.constant 1 : i32
          %mul3A_101 = arith.muli %scan3A_99, %mul3A_100 : i32
          %add3A_102 = arith.constant 0 : i32
          %add3A_103 = arith.addi %add3A_102, %mul3A_101 : i32
          %mul3A_104 = arith.constant 16 : i32
          %mul3A_105 = arith.muli %add3A_103, %mul3A_104 : i32
          %get3A = arith.index_cast %mul3A_105 : i32 to index
          %get3A_106 = tpu.vector_load %arg7[%get3A] {strides = array<i32>} : memref<256xf32, #tpu.memory_space<vmem>>, vector<16xf32>,
          %add3A_107 = arith.constant 1.000000e+00 : f32
          %add3A_108 = vector.broadcast %add3A_107 : f32 to vector<16xf32>
          %add3A_109 = arith.addf %get3A_106, %add3A_108 : vector<16xf32>
          %mul3A_110 = arith.constant 3.150000e+01 : f32
          %mul3A_111 = vector.broadcast %mul3A_110 : f32 to vector<16xf32>
          %mul3A_112 = arith.mulf %add3A_109, %mul3A_111 : vector<16xf32>
          %max3A = arith.constant -2.000000e+00 : f32
          %max3A_113 = vector.broadcast %max3A : f32 to vector<16xf32>
          %max3A_114 = arith.maximumf %mul3A_112, %max3A_113 : vector<16xf32>
          %min3A = arith.constant 6.600000e+01 : f32
          %min3A_115 = vector.broadcast %min3A : f32 to vector<16xf32>
          %min3A_116 = arith.minimumf %max3A_114, %min3A_115 : vector<16xf32>
          %convert_element_type3A = arith.fptosi %min3A_116 : vector<16xf32> to vector<16xi32>
          %convert_element_type3A_117 = arith.sitofp %convert_element_type3A : vector<16xi32> to vector<16xf32>
          %gt3A = arith.cmpf ogt, %convert_element_type3A_117, %min3A_116 : vector<16xf32>
          %jit3A = arith.constant 1.000000e+00 : f32
          %jit3A_118 = arith.constant 0.000000e+00 : f32
          %broadcast_in_dim3A = vector.broadcast %jit3A : f32 to vector<16xf32>
          %broadcast_in_dim3A_119 = vector.broadcast %jit3A_118 : f32 to vector<16xf32>
          %select_n3A = arith.select %gt3A, %broadcast_in_dim3A, %broadcast_in_dim3A_119 : vector<16xi1>, vector<16xf32>
          %sub3A = arith.subf %convert_element_type3A_117, %select_n3A : vector<16xf32>
          %sub3A_120 = arith.subf %min3A_116, %sub3A : vector<16xf32>
          %ge3A = arith.constant 0.000000e+00 : f32
          %ge3A_121 = vector.broadcast %ge3A : f32 to vector<16xf32>
          %ge3A_122 = arith.cmpf oge, %sub3A, %ge3A_121 : vector<16xf32>
          %le3A = arith.constant 6.300000e+01 : f32
          %le3A_123 = vector.broadcast %le3A : f32 to vector<16xf32>
          %le3A_124 = arith.cmpf ole, %sub3A, %le3A_123 : vector<16xf32>
          %and3A = arith.andi %ge3A_122, %le3A_124 : vector<16xi1>
          %jit3A_125 = arith.constant 1.000000e+00 : f32
          %jit3A_126 = arith.constant 0.000000e+00 : f32
          %broadcast_in_dim3A_127 = vector.broadcast %jit3A_125 : f32 to vector<16xf32>
          %broadcast_in_dim3A_128 = vector.broadcast %jit3A_126 : f32 to vector<16xf32>
          %select_n3A_129 = arith.select %and3A, %broadcast_in_dim3A_127, %broadcast_in_dim3A_128 : vector<16xi1>, vector<16xf32>
          %ge3A_130 = arith.constant -1.000000e+00 : f32
          %ge3A_131 = vector.broadcast %ge3A_130 : f32 to vector<16xf32>
          %ge3A_132 = arith.cmpf oge, %sub3A, %ge3A_131 : vector<16xf32>
          %le3A_133 = arith.constant 6.200000e+01 : f32
          %le3A_134 = vector.broadcast %le3A_133 : f32 to vector<16xf32>
          %le3A_135 = arith.cmpf ole, %sub3A, %le3A_134 : vector<16xf32>
          %and3A_136 = arith.andi %ge3A_132, %le3A_135 : vector<16xi1>
          %jit3A_137 = arith.constant 1.000000e+00 : f32
          %jit3A_138 = arith.constant 0.000000e+00 : f32
          %broadcast_in_dim3A_139 = vector.broadcast %jit3A_137 : f32 to vector<16xf32>
          %broadcast_in_dim3A_140 = vector.broadcast %jit3A_138 : f32 to vector<16xf32>
          %select_n3A_141 = arith.select %and3A_136, %broadcast_in_dim3A_139, %broadcast_in_dim3A_140 : vector<16xi1>, vector<16xf32>
          %sub3A_142 = arith.constant 1.000000e+00 : f32
          %sub3A_143 = vector.broadcast %sub3A_142 : f32 to vector<16xf32>
          %sub3A_144 = arith.subf %sub3A_143, %sub3A_120 : vector<16xf32>
          %mul3A_145 = arith.mulf %sub3A_144, %select_n3A_129 : vector<16xf32>
          %mul3A_146 = arith.mulf %sub3A_120, %select_n3A_141 : vector<16xf32>
          %lt3A = arith.constant 0.000000e+00 : f32
          %lt3A_147 = vector.broadcast %lt3A : f32 to vector<16xf32>
          %lt3A_148 = arith.cmpf olt, %sub3A, %lt3A_147 : vector<16xf32>
          %select_n3A_149 = arith.select %lt3A_148, %mul3A_146, %mul3A_145 : vector<16xi1>, vector<16xf32>
          %jit3A_150 = arith.constant 0.000000e+00 : f32
          %broadcast_in_dim3A_151 = vector.broadcast %jit3A_150 : f32 to vector<16xf32>
          %select_n3A_152 = arith.select %lt3A_148, %broadcast_in_dim3A_151, %mul3A_146 : vector<16xi1>, vector<16xf32>
          %max3A_153 = arith.constant 0.000000e+00 : f32
          %max3A_154 = vector.broadcast %max3A_153 : f32 to vector<16xf32>
          %max3A_155 = arith.maximumf %sub3A, %max3A_154 : vector<16xf32>
          %min3A_156 = arith.constant 6.300000e+01 : f32
          %min3A_157 = vector.broadcast %min3A_156 : f32 to vector<16xf32>
          %min3A_158 = arith.minimumf %max3A_155, %min3A_157 : vector<16xf32>
          %convert_element_type3A_159 = arith.fptosi %min3A_158 : vector<16xf32> to vector<16xi32>
          %get3A_160 = arith.index_cast %mul3A_105 : i32 to index
          %get3A_161 = tpu.vector_load %arg8[%get3A_160] {strides = array<i32>} : memref<256xf32, #tpu.memory_space<vmem>>, vector<16xf32>,
          %add3A_162 = arith.constant 1.000000e+00 : f32
          %add3A_163 = vector.broadcast %add3A_162 : f32 to vector<16xf32>
          %add3A_164 = arith.addf %get3A_161, %add3A_163 : vector<16xf32>
          %mul3A_165 = arith.constant 3.150000e+01 : f32
          %mul3A_166 = vector.broadcast %mul3A_165 : f32 to vector<16xf32>
          %mul3A_167 = arith.mulf %add3A_164, %mul3A_166 : vector<16xf32>
          %max3A_168 = arith.constant -2.000000e+00 : f32
          %max3A_169 = vector.broadcast %max3A_168 : f32 to vector<16xf32>
          %max3A_170 = arith.maximumf %mul3A_167, %max3A_169 : vector<16xf32>
          %min3A_171 = arith.constant 6.600000e+01 : f32
          %min3A_172 = vector.broadcast %min3A_171 : f32 to vector<16xf32>
          %min3A_173 = arith.minimumf %max3A_170, %min3A_172 : vector<16xf32>
          %convert_element_type3A_174 = arith.fptosi %min3A_173 : vector<16xf32> to vector<16xi32>
          %convert_element_type3A_175 = arith.sitofp %convert_element_type3A_174 : vector<16xi32> to vector<16xf32>
          %gt3A_176 = arith.cmpf ogt, %convert_element_type3A_175, %min3A_173 : vector<16xf32>
          %jit3A_177 = arith.constant 1.000000e+00 : f32
          %jit3A_178 = arith.constant 0.000000e+00 : f32
          %broadcast_in_dim3A_179 = vector.broadcast %jit3A_177 : f32 to vector<16xf32>
          %broadcast_in_dim3A_180 = vector.broadcast %jit3A_178 : f32 to vector<16xf32>
          %select_n3A_181 = arith.select %gt3A_176, %broadcast_in_dim3A_179, %broadcast_in_dim3A_180 : vector<16xi1>, vector<16xf32>
          %sub3A_182 = arith.subf %convert_element_type3A_175, %select_n3A_181 : vector<16xf32>
          %sub3A_183 = arith.subf %min3A_173, %sub3A_182 : vector<16xf32>
          %ge3A_184 = arith.constant 0.000000e+00 : f32
          %ge3A_185 = vector.broadcast %ge3A_184 : f32 to vector<16xf32>
          %ge3A_186 = arith.cmpf oge, %sub3A_182, %ge3A_185 : vector<16xf32>
          %le3A_187 = arith.constant 6.300000e+01 : f32
          %le3A_188 = vector.broadcast %le3A_187 : f32 to vector<16xf32>
          %le3A_189 = arith.cmpf ole, %sub3A_182, %le3A_188 : vector<16xf32>
          %and3A_190 = arith.andi %ge3A_186, %le3A_189 : vector<16xi1>
          %jit3A_191 = arith.constant 1.000000e+00 : f32
          %jit3A_192 = arith.constant 0.000000e+00 : f32
          %broadcast_in_dim3A_193 = vector.broadcast %jit3A_191 : f32 to vector<16xf32>
          %broadcast_in_dim3A_194 = vector.broadcast %jit3A_192 : f32 to vector<16xf32>
          %select_n3A_195 = arith.select %and3A_190, %broadcast_in_dim3A_193, %broadcast_in_dim3A_194 : vector<16xi1>, vector<16xf32>
          %ge3A_196 = arith.constant -1.000000e+00 : f32
          %ge3A_197 = vector.broadcast %ge3A_196 : f32 to vector<16xf32>
          %ge3A_198 = arith.cmpf oge, %sub3A_182, %ge3A_197 : vector<16xf32>
          %le3A_199 = arith.constant 6.200000e+01 : f32
          %le3A_200 = vector.broadcast %le3A_199 : f32 to vector<16xf32>
          %le3A_201 = arith.cmpf ole, %sub3A_182, %le3A_200 : vector<16xf32>
          %and3A_202 = arith.andi %ge3A_198, %le3A_201 : vector<16xi1>
          %jit3A_203 = arith.constant 1.000000e+00 : f32
          %jit3A_204 = arith.constant 0.000000e+00 : f32
          %broadcast_in_dim3A_205 = vector.broadcast %jit3A_203 : f32 to vector<16xf32>
          %broadcast_in_dim3A_206 = vector.broadcast %jit3A_204 : f32 to vector<16xf32>
          %select_n3A_207 = arith.select %and3A_202, %broadcast_in_dim3A_205, %broadcast_in_dim3A_206 : vector<16xi1>, vector<16xf32>
          %sub3A_208 = arith.constant 1.000000e+00 : f32
          %sub3A_209 = vector.broadcast %sub3A_208 : f32 to vector<16xf32>
          %sub3A_210 = arith.subf %sub3A_209, %sub3A_183 : vector<16xf32>
          %mul3A_211 = arith.mulf %sub3A_210, %select_n3A_195 : vector<16xf32>
          %mul3A_212 = arith.mulf %sub3A_183, %select_n3A_207 : vector<16xf32>
          %lt3A_213 = arith.constant 0.000000e+00 : f32
          %lt3A_214 = vector.broadcast %lt3A_213 : f32 to vector<16xf32>
          %lt3A_215 = arith.cmpf olt, %sub3A_182, %lt3A_214 : vector<16xf32>
          %select_n3A_216 = arith.select %lt3A_215, %mul3A_212, %mul3A_211 : vector<16xi1>, vector<16xf32>
          %jit3A_217 = arith.constant 0.000000e+00 : f32
          %broadcast_in_dim3A_218 = vector.broadcast %jit3A_217 : f32 to vector<16xf32>
          %select_n3A_219 = arith.select %lt3A_215, %broadcast_in_dim3A_218, %mul3A_212 : vector<16xi1>, vector<16xf32>
          %max3A_220 = arith.constant 0.000000e+00 : f32
          %max3A_221 = vector.broadcast %max3A_220 : f32 to vector<16xf32>
          %max3A_222 = arith.maximumf %sub3A_182, %max3A_221 : vector<16xf32>
          %min3A_223 = arith.constant 6.300000e+01 : f32
          %min3A_224 = vector.broadcast %min3A_223 : f32 to vector<16xf32>
          %min3A_225 = arith.minimumf %max3A_222, %min3A_224 : vector<16xf32>
          %convert_element_type3A_226 = arith.fptosi %min3A_225 : vector<16xf32> to vector<16xi32>
          %get3A_227 = arith.index_cast %mul3A_105 : i32 to index
          %get3A_228 = tpu.vector_load %arg9[%get3A_227] {strides = array<i32>} : memref<256xf32, #tpu.memory_space<vmem>>, vector<16xf32>,
          %add3A_229 = arith.constant 1.000000e+00 : f32
          %add3A_230 = vector.broadcast %add3A_229 : f32 to vector<16xf32>
          %add3A_231 = arith.addf %get3A_228, %add3A_230 : vector<16xf32>
          %mul3A_232 = arith.constant 3.150000e+01 : f32
          %mul3A_233 = vector.broadcast %mul3A_232 : f32 to vector<16xf32>
          %mul3A_234 = arith.mulf %add3A_231, %mul3A_233 : vector<16xf32>
          %max3A_235 = arith.constant -2.000000e+00 : f32
          %max3A_236 = vector.broadcast %max3A_235 : f32 to vector<16xf32>
          %max3A_237 = arith.maximumf %mul3A_234, %max3A_236 : vector<16xf32>
          %min3A_238 = arith.constant 6.600000e+01 : f32
          %min3A_239 = vector.broadcast %min3A_238 : f32 to vector<16xf32>
          %min3A_240 = arith.minimumf %max3A_237, %min3A_239 : vector<16xf32>
          %convert_element_type3A_241 = arith.fptosi %min3A_240 : vector<16xf32> to vector<16xi32>
          %convert_element_type3A_242 = arith.sitofp %convert_element_type3A_241 : vector<16xi32> to vector<16xf32>
          %gt3A_243 = arith.cmpf ogt, %convert_element_type3A_242, %min3A_240 : vector<16xf32>
          %jit3A_244 = arith.constant 1.000000e+00 : f32
          %jit3A_245 = arith.constant 0.000000e+00 : f32
          %broadcast_in_dim3A_246 = vector.broadcast %jit3A_244 : f32 to vector<16xf32>
          %broadcast_in_dim3A_247 = vector.broadcast %jit3A_245 : f32 to vector<16xf32>
          %select_n3A_248 = arith.select %gt3A_243, %broadcast_in_dim3A_246, %broadcast_in_dim3A_247 : vector<16xi1>, vector<16xf32>
          %sub3A_249 = arith.subf %convert_element_type3A_242, %select_n3A_248 : vector<16xf32>
          %sub3A_250 = arith.subf %min3A_240, %sub3A_249 : vector<16xf32>
          %ge3A_251 = arith.constant 0.000000e+00 : f32
          %ge3A_252 = vector.broadcast %ge3A_251 : f32 to vector<16xf32>
          %ge3A_253 = arith.cmpf oge, %sub3A_249, %ge3A_252 : vector<16xf32>
          %le3A_254 = arith.constant 6.300000e+01 : f32
          %le3A_255 = vector.broadcast %le3A_254 : f32 to vector<16xf32>
          %le3A_256 = arith.cmpf ole, %sub3A_249, %le3A_255 : vector<16xf32>
          %and3A_257 = arith.andi %ge3A_253, %le3A_256 : vector<16xi1>
          %jit3A_258 = arith.constant 1.000000e+00 : f32
          %jit3A_259 = arith.constant 0.000000e+00 : f32
          %broadcast_in_dim3A_260 = vector.broadcast %jit3A_258 : f32 to vector<16xf32>
          %broadcast_in_dim3A_261 = vector.broadcast %jit3A_259 : f32 to vector<16xf32>
          %select_n3A_262 = arith.select %and3A_257, %broadcast_in_dim3A_260, %broadcast_in_dim3A_261 : vector<16xi1>, vector<16xf32>
          %ge3A_263 = arith.constant -1.000000e+00 : f32
          %ge3A_264 = vector.broadcast %ge3A_263 : f32 to vector<16xf32>
          %ge3A_265 = arith.cmpf oge, %sub3A_249, %ge3A_264 : vector<16xf32>
          %le3A_266 = arith.constant 6.200000e+01 : f32
          %le3A_267 = vector.broadcast %le3A_266 : f32 to vector<16xf32>
          %le3A_268 = arith.cmpf ole, %sub3A_249, %le3A_267 : vector<16xf32>
          %and3A_269 = arith.andi %ge3A_265, %le3A_268 : vector<16xi1>
          %jit3A_270 = arith.constant 1.000000e+00 : f32
          %jit3A_271 = arith.constant 0.000000e+00 : f32
          %broadcast_in_dim3A_272 = vector.broadcast %jit3A_270 : f32 to vector<16xf32>
          %broadcast_in_dim3A_273 = vector.broadcast %jit3A_271 : f32 to vector<16xf32>
          %select_n3A_274 = arith.select %and3A_269, %broadcast_in_dim3A_272, %broadcast_in_dim3A_273 : vector<16xi1>, vector<16xf32>
          %sub3A_275 = arith.constant 1.000000e+00 : f32
          %sub3A_276 = vector.broadcast %sub3A_275 : f32 to vector<16xf32>
          %sub3A_277 = arith.subf %sub3A_276, %sub3A_250 : vector<16xf32>
          %mul3A_278 = arith.mulf %sub3A_277, %select_n3A_262 : vector<16xf32>
          %mul3A_279 = arith.mulf %sub3A_250, %select_n3A_274 : vector<16xf32>
          %lt3A_280 = arith.constant 0.000000e+00 : f32
          %lt3A_281 = vector.broadcast %lt3A_280 : f32 to vector<16xf32>
          %lt3A_282 = arith.cmpf olt, %sub3A_249, %lt3A_281 : vector<16xf32>
          %select_n3A_283 = arith.select %lt3A_282, %mul3A_279, %mul3A_278 : vector<16xi1>, vector<16xf32>
          %jit3A_284 = arith.constant 0.000000e+00 : f32
          %broadcast_in_dim3A_285 = vector.broadcast %jit3A_284 : f32 to vector<16xf32>
          %select_n3A_286 = arith.select %lt3A_282, %broadcast_in_dim3A_285, %mul3A_279 : vector<16xi1>, vector<16xf32>
          %max3A_287 = arith.constant 0.000000e+00 : f32
          %max3A_288 = vector.broadcast %max3A_287 : f32 to vector<16xf32>
          %max3A_289 = arith.maximumf %sub3A_249, %max3A_288 : vector<16xf32>
          %min3A_290 = arith.constant 6.300000e+01 : f32
          %min3A_291 = vector.broadcast %min3A_290 : f32 to vector<16xf32>
          %min3A_292 = arith.minimumf %max3A_289, %min3A_291 : vector<16xf32>
          %convert_element_type3A_293 = arith.fptosi %min3A_292 : vector<16xf32> to vector<16xi32>
          %shift_left3A = arith.constant 12 : i32
          %shift_left3A_294 = vector.broadcast %shift_left3A : i32 to vector<16xi32>
          %shift_left3A_295 = arith.shli %convert_element_type3A_293, %shift_left3A_294 : vector<16xi32>
          %shift_left3A_296 = arith.constant 6 : i32
          %shift_left3A_297 = vector.broadcast %shift_left3A_296 : i32 to vector<16xi32>
          %shift_left3A_298 = arith.shli %convert_element_type3A_226, %shift_left3A_297 : vector<16xi32>
          %add3A_299 = arith.addi %shift_left3A_295, %shift_left3A_298 : vector<16xi32>
          %add3A_300 = arith.addi %add3A_299, %convert_element_type3A_159 : vector<16xi32>
          %add3A_301 = vector.broadcast %mul3A_48 : i32 to vector<16xi32>
          %add3A_302 = arith.addi %add3A_301, %add3A_300 : vector<16xi32>
          %jit3A_303 = arith.constant 8 : i32
          %div3A = arith.divsi %add3A_103, %jit3A_303 : i32
          %sign3A = arith.constant 0 : i32
          %sign3A_304 = arith.cmpi sgt, %add3A_103, %sign3A : i32
          %sign3A_305 = arith.extui %sign3A_304 : i1 to i32
          %sign3A_306 = arith.constant 0 : i32
          %sign3A_307 = arith.cmpi slt, %add3A_103, %sign3A_306 : i32
          %sign3A_308 = arith.extui %sign3A_307 : i1 to i32
          %sign3A_309 = arith.subi %sign3A_305, %sign3A_308 : i32
          %sign3A_310 = arith.constant 0 : i32
          %sign3A_311 = arith.cmpi sgt, %jit3A_303, %sign3A_310 : i32
          %sign3A_312 = arith.extui %sign3A_311 : i1 to i32
          %sign3A_313 = arith.constant 0 : i32
          %sign3A_314 = arith.cmpi slt, %jit3A_303, %sign3A_313 : i32
          %sign3A_315 = arith.extui %sign3A_314 : i1 to i32
          %sign3A_316 = arith.subi %sign3A_312, %sign3A_315 : i32
          %ne3A = arith.cmpi ne, %sign3A_309, %sign3A_316 : i32
          %rem3A = arith.remsi %add3A_103, %jit3A_303 : i32
          %ne3A_317 = arith.constant 0 : i32
          %ne3A_318 = arith.cmpi ne, %rem3A, %ne3A_317 : i32
          %and3A_319 = arith.andi %ne3A, %ne3A_318 : i1
          %sub3A_320 = arith.constant 1 : i32
          %sub3A_321 = arith.subi %div3A, %sub3A_320 : i32
          %select_n3A_322 = arith.select %and3A_319, %sub3A_321, %div3A : i32
          %jit3A_323 = arith.constant 8 : i32
          %eq3A = arith.constant 0 : i32
          %eq3A_324 = arith.cmpi eq, %jit3A_323, %eq3A : i32
          %jit3A_325 = arith.constant 1 : i32
          %select_n3A_326 = arith.select %eq3A_324, %jit3A_325, %jit3A_323 : i32
          %rem3A_327 = arith.remsi %add3A_103, %select_n3A_326 : i32
          %ne3A_328 = arith.constant 0 : i32
          %ne3A_329 = arith.cmpi ne, %rem3A_327, %ne3A_328 : i32
          %lt3A_330 = arith.constant 0 : i32
          %lt3A_331 = arith.cmpi slt, %rem3A_327, %lt3A_330 : i32
          %lt3A_332 = arith.constant 0 : i32
          %lt3A_333 = arith.cmpi slt, %select_n3A_326, %lt3A_332 : i32
          %ne3A_334 = arith.xori %lt3A_331, %lt3A_333 : i1
          %and3A_335 = arith.andi %ne3A_334, %ne3A_329 : i1
          %add3A_336 = arith.addi %rem3A_327, %select_n3A_326 : i32
          %select_n3A_337 = arith.select %and3A_335, %add3A_336, %rem3A_327 : i32
          %mul3A_338 = arith.constant 16 : i32
          %mul3A_339 = arith.muli %select_n3A_337, %mul3A_338 : i32
          %swap3A = arith.index_cast %select_n3A_322 : i32 to index
          %swap3A_340 = arith.index_cast %mul3A_339 : i32 to index
          %swap3A_341 = tpu.vector_load %arg11[%swap3A, %swap3A_340] {strides = array<i32>} : memref<2x128xi32, #tpu.memory_space<vmem>>, vector<16xi32>,
          tpu.vector_store %arg11[%swap3A, %swap3A_340], %add3A_302 {strides = array<i32>} : memref<2x128xi32, #tpu.memory_space<vmem>>, vector<16xi32>,
          %swap3A_342 = arith.constant 0 : i32
          %swap3A_343 = arith.index_cast %swap3A_342 : i32 to index
          %swap3A_344 = arith.index_cast %mul3A_105 : i32 to index
          %swap3A_345 = tpu.vector_load %arg10[%swap3A_343, %swap3A_344] {strides = array<i32>} : memref<6x256xf32, #tpu.memory_space<vmem>>, vector<16xf32>,
          tpu.vector_store %arg10[%swap3A_343, %swap3A_344], %select_n3A_149 {strides = array<i32>} : memref<6x256xf32, #tpu.memory_space<vmem>>, vector<16xf32>,
          %swap3A_346 = arith.constant 1 : i32
          %swap3A_347 = arith.index_cast %swap3A_346 : i32 to index
          %swap3A_348 = arith.index_cast %mul3A_105 : i32 to index
          %swap3A_349 = tpu.vector_load %arg10[%swap3A_347, %swap3A_348] {strides = array<i32>} : memref<6x256xf32, #tpu.memory_space<vmem>>, vector<16xf32>,
          tpu.vector_store %arg10[%swap3A_347, %swap3A_348], %select_n3A_152 {strides = array<i32>} : memref<6x256xf32, #tpu.memory_space<vmem>>, vector<16xf32>,
          %swap3A_350 = arith.constant 2 : i32
          %swap3A_351 = arith.index_cast %swap3A_350 : i32 to index
          %swap3A_352 = arith.index_cast %mul3A_105 : i32 to index
          %swap3A_353 = tpu.vector_load %arg10[%swap3A_351, %swap3A_352] {strides = array<i32>} : memref<6x256xf32, #tpu.memory_space<vmem>>, vector<16xf32>,
          tpu.vector_store %arg10[%swap3A_351, %swap3A_352], %select_n3A_216 {strides = array<i32>} : memref<6x256xf32, #tpu.memory_space<vmem>>, vector<16xf32>,
          %swap3A_354 = arith.constant 3 : i32
          %swap3A_355 = arith.index_cast %swap3A_354 : i32 to index
          %swap3A_356 = arith.index_cast %mul3A_105 : i32 to index
          %swap3A_357 = tpu.vector_load %arg10[%swap3A_355, %swap3A_356] {strides = array<i32>} : memref<6x256xf32, #tpu.memory_space<vmem>>, vector<16xf32>,
          tpu.vector_store %arg10[%swap3A_355, %swap3A_356], %select_n3A_219 {strides = array<i32>} : memref<6x256xf32, #tpu.memory_space<vmem>>, vector<16xf32>,
          %swap3A_358 = arith.constant 4 : i32
          %swap3A_359 = arith.index_cast %swap3A_358 : i32 to index
          %swap3A_360 = arith.index_cast %mul3A_105 : i32 to index
          %swap3A_361 = tpu.vector_load %arg10[%swap3A_359, %swap3A_360] {strides = array<i32>} : memref<6x256xf32, #tpu.memory_space<vmem>>, vector<16xf32>,
          tpu.vector_store %arg10[%swap3A_359, %swap3A_360], %select_n3A_283 {strides = array<i32>} : memref<6x256xf32, #tpu.memory_space<vmem>>, vector<16xf32>,
          %swap3A_362 = arith.constant 5 : i32
          %swap3A_363 = arith.index_cast %swap3A_362 : i32 to index
          %swap3A_364 = arith.index_cast %mul3A_105 : i32 to index
          %swap3A_365 = tpu.vector_load %arg10[%swap3A_363, %swap3A_364] {strides = array<i32>} : memref<6x256xf32, #tpu.memory_space<vmem>>, vector<16xf32>,
          tpu.vector_store %arg10[%swap3A_363, %swap3A_364], %select_n3A_286 {strides = array<i32>} : memref<6x256xf32, #tpu.memory_space<vmem>>, vector<16xf32>,
        }
        %scan3A_53 = arith.constant 16 : i32
        %dma_start3A_54 = arith.constant 0 : i32
        %dma_start3A_55 = arith.constant 0 : i32
        %dma_start3A_56 = arith.constant 0 : i32
        %dma_start3A_57 = tpu.memref_slice %arg12[%dma_start3A_55, %dma_start3A_56] : memref<256x16xf32, #tpu.memory_space<vmem>> -> memref<128x16xf32, #tpu.memory_space<vmem>>
        %dma_start3A_58 = arith.constant 0 : i32
        %dma_start3A_59 = tpu.memref_slice %arg11[%dma_start3A_54, %dma_start3A_58] : memref<2x128xi32, #tpu.memory_space<vmem>> -> memref<1x128xi32, #tpu.memory_space<vmem>>
        %dma_start3A_60 = tpu.memref_squeeze %dma_start3A_59 : memref<1x128xi32, #tpu.memory_space<vmem>> -> memref<128xi32, #tpu.memory_space<vmem>>
        %dma_start3A_61 = arith.constant 0 : i32
        %dma_start3A_62 = arith.constant 0 : i32
        %dma_start3A_63 = tpu.memref_slice %arg2[%dma_start3A_61, %dma_start3A_62] : memref<16777216x16xf32, #tpu.memory_space<hbm>> -> memref<16777216x16xf32, #tpu.memory_space<hbm>>
        tpu.enqueue_indirect_dma source(%dma_start3A_63 : memref<16777216x16xf32, #tpu.memory_space<hbm>>) target(%dma_start3A_57 : memref<128x16xf32, #tpu.memory_space<vmem>>) offsets(%dma_start3A_60 : memref<128xi32, #tpu.memory_space<vmem>>) semaphore(%arg15 : memref<!tpu.dma_semaphore, #tpu.memory_space<semaphore_mem>>)
        %dma_start3A_64 = arith.constant 1 : i32
        %dma_start3A_65 = arith.constant 128 : i32
        %dma_start3A_66 = arith.constant 0 : i32
        %dma_start3A_67 = tpu.memref_slice %arg12[%dma_start3A_65, %dma_start3A_66] : memref<256x16xf32, #tpu.memory_space<vmem>> -> memref<128x16xf32, #tpu.memory_space<vmem>>
        %dma_start3A_68 = arith.constant 0 : i32
        %dma_start3A_69 = tpu.memref_slice %arg11[%dma_start3A_64, %dma_start3A_68] : memref<2x128xi32, #tpu.memory_space<vmem>> -> memref<1x128xi32, #tpu.memory_space<vmem>>
        %dma_start3A_70 = tpu.memref_squeeze %dma_start3A_69 : memref<1x128xi32, #tpu.memory_space<vmem>> -> memref<128xi32, #tpu.memory_space<vmem>>
        %dma_start3A_71 = arith.constant 0 : i32
        %dma_start3A_72 = arith.constant 0 : i32
        %dma_start3A_73 = tpu.memref_slice %arg2[%dma_start3A_71, %dma_start3A_72] : memref<16777216x16xf32, #tpu.memory_space<hbm>> -> memref<16777216x16xf32, #tpu.memory_space<hbm>>
        tpu.enqueue_indirect_dma source(%dma_start3A_73 : memref<16777216x16xf32, #tpu.memory_space<hbm>>) target(%dma_start3A_67 : memref<128x16xf32, #tpu.memory_space<vmem>>) offsets(%dma_start3A_70 : memref<128xi32, #tpu.memory_space<vmem>>) semaphore(%arg15 : memref<!tpu.dma_semaphore, #tpu.memory_space<semaphore_mem>>)
        %dma_wait3A_74 = arith.constant 0 : i32
        %dma_wait3A_75 = arith.constant 0 : i32
        %dma_wait3A_76 = arith.constant 0 : i32
        %dma_wait3A_77 = tpu.memref_slice %arg12[%dma_wait3A_75, %dma_wait3A_76] : memref<256x16xf32, #tpu.memory_space<vmem>> -> memref<128x16xf32, #tpu.memory_space<vmem>>
        %dma_wait3A_78 = arith.constant 0 : i32
        %dma_wait3A_79 = tpu.memref_slice %arg11[%dma_wait3A_74, %dma_wait3A_78] : memref<2x128xi32, #tpu.memory_space<vmem>> -> memref<1x128xi32, #tpu.memory_space<vmem>>
        %dma_wait3A_80 = tpu.memref_squeeze %dma_wait3A_79 : memref<1x128xi32, #tpu.memory_space<vmem>> -> memref<128xi32, #tpu.memory_space<vmem>>
        %dma_wait3A_81 = arith.constant 0 : i32
        %dma_wait3A_82 = arith.constant 0 : i32
        %dma_wait3A_83 = tpu.memref_slice %arg2[%dma_wait3A_81, %dma_wait3A_82] : memref<16777216x16xf32, #tpu.memory_space<hbm>> -> memref<16777216x16xf32, #tpu.memory_space<hbm>>
        tpu.wait_indirect_dma semaphore(%arg15 : memref<!tpu.dma_semaphore, #tpu.memory_space<semaphore_mem>>) src(%dma_wait3A_83 : memref<16777216x16xf32, #tpu.memory_space<hbm>>) dst(%dma_wait3A_77 : memref<128x16xf32, #tpu.memory_space<vmem>>)
        %dma_wait3A_84 = arith.constant 1 : i32
        %dma_wait3A_85 = arith.constant 128 : i32
        %dma_wait3A_86 = arith.constant 0 : i32
        %dma_wait3A_87 = tpu.memref_slice %arg12[%dma_wait3A_85, %dma_wait3A_86] : memref<256x16xf32, #tpu.memory_space<vmem>> -> memref<128x16xf32, #tpu.memory_space<vmem>>
        %dma_wait3A_88 = arith.constant 0 : i32
        %dma_wait3A_89 = tpu.memref_slice %arg11[%dma_wait3A_84, %dma_wait3A_88] : memref<2x128xi32, #tpu.memory_space<vmem>> -> memref<1x128xi32, #tpu.memory_space<vmem>>
        %dma_wait3A_90 = tpu.memref_squeeze %dma_wait3A_89 : memref<1x128xi32, #tpu.memory_space<vmem>> -> memref<128xi32, #tpu.memory_space<vmem>>
        %dma_wait3A_91 = arith.constant 0 : i32
        %dma_wait3A_92 = arith.constant 0 : i32
        %dma_wait3A_93 = tpu.memref_slice %arg2[%dma_wait3A_91, %dma_wait3A_92] : memref<16777216x16xf32, #tpu.memory_space<hbm>> -> memref<16777216x16xf32, #tpu.memory_space<hbm>>
        tpu.wait_indirect_dma semaphore(%arg15 : memref<!tpu.dma_semaphore, #tpu.memory_space<semaphore_mem>>) src(%dma_wait3A_93 : memref<16777216x16xf32, #tpu.memory_space<hbm>>) dst(%dma_wait3A_87 : memref<128x16xf32, #tpu.memory_space<vmem>>)
        %scan3A_94 = arith.constant 0 : i32
        %scan3A_95 = arith.constant 16 : i32
        %scan3A_96 = arith.addi %scan3A_94, %scan3A_95 : i32
        %scan3A_97 = arith.constant 1 : i32
        scf.for %scan3A_99 = %scan3A_94 to %scan3A_96 step %scan3A_97  : i32 {
          %mul3A_100 = arith.constant 1 : i32
          %mul3A_101 = arith.muli %scan3A_99, %mul3A_100 : i32
          %add3A_102 = arith.constant 0 : i32
          %add3A_103 = arith.addi %add3A_102, %mul3A_101 : i32
          %mul3A_104 = arith.constant 16 : i32
          %mul3A_105 = arith.muli %add3A_103, %mul3A_104 : i32
          %get3A = arith.constant 0 : i32
          %get3A_106 = arith.index_cast %get3A : i32 to index
          %get3A_107 = arith.index_cast %mul3A_105 : i32 to index
          %get3A_108 = tpu.vector_load %arg10[%get3A_106, %get3A_107] {strides = array<i32>} : memref<6x256xf32, #tpu.memory_space<vmem>>, vector<16xf32>,
          %get3A_109 = arith.constant 1 : i32
          %get3A_110 = arith.index_cast %get3A_109 : i32 to index
          %get3A_111 = arith.index_cast %mul3A_105 : i32 to index
          %get3A_112 = tpu.vector_load %arg10[%get3A_110, %get3A_111] {strides = array<i32>} : memref<6x256xf32, #tpu.memory_space<vmem>>, vector<16xf32>,
          %get3A_113 = arith.constant 2 : i32
          %get3A_114 = arith.index_cast %get3A_113 : i32 to index
          %get3A_115 = arith.index_cast %mul3A_105 : i32 to index
          %get3A_116 = tpu.vector_load %arg10[%get3A_114, %get3A_115] {strides = array<i32>} : memref<6x256xf32, #tpu.memory_space<vmem>>, vector<16xf32>,
          %get3A_117 = arith.constant 3 : i32
          %get3A_118 = arith.index_cast %get3A_117 : i32 to index
          %get3A_119 = arith.index_cast %mul3A_105 : i32 to index
          %get3A_120 = tpu.vector_load %arg10[%get3A_118, %get3A_119] {strides = array<i32>} : memref<6x256xf32, #tpu.memory_space<vmem>>, vector<16xf32>,
          %get3A_121 = arith.constant 4 : i32
          %get3A_122 = arith.index_cast %get3A_121 : i32 to index
          %get3A_123 = arith.index_cast %mul3A_105 : i32 to index
          %get3A_124 = tpu.vector_load %arg10[%get3A_122, %get3A_123] {strides = array<i32>} : memref<6x256xf32, #tpu.memory_space<vmem>>, vector<16xf32>,
          %get3A_125 = arith.constant 5 : i32
          %get3A_126 = arith.index_cast %get3A_125 : i32 to index
          %get3A_127 = arith.index_cast %mul3A_105 : i32 to index
          %get3A_128 = tpu.vector_load %arg10[%get3A_126, %get3A_127] {strides = array<i32>} : memref<6x256xf32, #tpu.memory_space<vmem>>, vector<16xf32>,
          %mul3A_129 = arith.mulf %get3A_124, %get3A_116 : vector<16xf32>
          %mul3A_130 = arith.mulf %get3A_124, %get3A_120 : vector<16xf32>
          %mul3A_131 = arith.mulf %get3A_128, %get3A_116 : vector<16xf32>
          %mul3A_132 = arith.mulf %get3A_128, %get3A_120 : vector<16xf32>
          %mul3A_133 = arith.mulf %mul3A_129, %get3A_108 : vector<16xf32>
          %mul3A_134 = arith.mulf %mul3A_129, %get3A_112 : vector<16xf32>
          %mul3A_135 = arith.mulf %mul3A_130, %get3A_108 : vector<16xf32>
          %mul3A_136 = arith.mulf %mul3A_130, %get3A_112 : vector<16xf32>
          %mul3A_137 = arith.mulf %mul3A_131, %get3A_108 : vector<16xf32>
          %mul3A_138 = arith.mulf %mul3A_131, %get3A_112 : vector<16xf32>
          %mul3A_139 = arith.mulf %mul3A_132, %get3A_108 : vector<16xf32>
          %mul3A_140 = arith.mulf %mul3A_132, %get3A_112 : vector<16xf32>
          %mul3A_141 = arith.constant 16 : i32
          %mul3A_142 = arith.muli %add3A_103, %mul3A_141 : i32
          %add3A_143 = vector.broadcast %mul3A_142 : i32 to vector<16xi32>
          %add3A_144 = arith.addi %iota3A, %add3A_143 : vector<16xi32>
          %broadcast_in_dim3A = arith.constant 0.000000e+00 : f32
          %broadcast_in_dim3A_145 = vector.broadcast %broadcast_in_dim3A : f32 to vector<16xf32>
          %broadcast_in_dim3A_146 = arith.constant 0.000000e+00 : f32
          %broadcast_in_dim3A_147 = vector.broadcast %broadcast_in_dim3A_146 : f32 to vector<16xf32>
          %broadcast_in_dim3A_148 = arith.constant 0 : i32
          %broadcast_in_dim3A_149 = vector.broadcast %broadcast_in_dim3A_148 : i32 to vector<16xi32>
          %broadcast_in_dim3A_150 = arith.constant 1 : i32
          %broadcast_in_dim3A_151 = vector.broadcast %broadcast_in_dim3A_150 : i32 to vector<16xi32>
          %gather3A = tpu.vector_load_idx %arg12[%add3A_144, %broadcast_in_dim3A_149] : memref<256x16xf32, #tpu.memory_space<vmem>>[vector<16xi32>, vector<16xi32>], vector<16xf32>,
          %gather3A_152 = tpu.vector_load_idx %arg12[%add3A_144, %broadcast_in_dim3A_151] : memref<256x16xf32, #tpu.memory_space<vmem>>[vector<16xi32>, vector<16xi32>], vector<16xf32>,
          %mul3A_153 = arith.mulf %mul3A_133, %gather3A : vector<16xf32>
          %add3A_154 = arith.addf %broadcast_in_dim3A_145, %mul3A_153 : vector<16xf32>
          %mul3A_155 = arith.mulf %mul3A_133, %gather3A_152 : vector<16xf32>
          %add3A_156 = arith.addf %broadcast_in_dim3A_147, %mul3A_155 : vector<16xf32>
          %broadcast_in_dim3A_157 = arith.constant 2 : i32
          %broadcast_in_dim3A_158 = vector.broadcast %broadcast_in_dim3A_157 : i32 to vector<16xi32>
          %broadcast_in_dim3A_159 = arith.constant 3 : i32
          %broadcast_in_dim3A_160 = vector.broadcast %broadcast_in_dim3A_159 : i32 to vector<16xi32>
          %gather3A_161 = tpu.vector_load_idx %arg12[%add3A_144, %broadcast_in_dim3A_158] : memref<256x16xf32, #tpu.memory_space<vmem>>[vector<16xi32>, vector<16xi32>], vector<16xf32>,
          %gather3A_162 = tpu.vector_load_idx %arg12[%add3A_144, %broadcast_in_dim3A_160] : memref<256x16xf32, #tpu.memory_space<vmem>>[vector<16xi32>, vector<16xi32>], vector<16xf32>,
          %mul3A_163 = arith.mulf %mul3A_134, %gather3A_161 : vector<16xf32>
          %add3A_164 = arith.addf %add3A_154, %mul3A_163 : vector<16xf32>
          %mul3A_165 = arith.mulf %mul3A_134, %gather3A_162 : vector<16xf32>
          %add3A_166 = arith.addf %add3A_156, %mul3A_165 : vector<16xf32>
          %broadcast_in_dim3A_167 = arith.constant 4 : i32
          %broadcast_in_dim3A_168 = vector.broadcast %broadcast_in_dim3A_167 : i32 to vector<16xi32>
          %broadcast_in_dim3A_169 = arith.constant 5 : i32
          %broadcast_in_dim3A_170 = vector.broadcast %broadcast_in_dim3A_169 : i32 to vector<16xi32>
          %gather3A_171 = tpu.vector_load_idx %arg12[%add3A_144, %broadcast_in_dim3A_168] : memref<256x16xf32, #tpu.memory_space<vmem>>[vector<16xi32>, vector<16xi32>], vector<16xf32>,
          %gather3A_172 = tpu.vector_load_idx %arg12[%add3A_144, %broadcast_in_dim3A_170] : memref<256x16xf32, #tpu.memory_space<vmem>>[vector<16xi32>, vector<16xi32>], vector<16xf32>,
          %mul3A_173 = arith.mulf %mul3A_135, %gather3A_171 : vector<16xf32>
          %add3A_174 = arith.addf %add3A_164, %mul3A_173 : vector<16xf32>
          %mul3A_175 = arith.mulf %mul3A_135, %gather3A_172 : vector<16xf32>
          %add3A_176 = arith.addf %add3A_166, %mul3A_175 : vector<16xf32>
          %broadcast_in_dim3A_177 = arith.constant 6 : i32
          %broadcast_in_dim3A_178 = vector.broadcast %broadcast_in_dim3A_177 : i32 to vector<16xi32>
          %broadcast_in_dim3A_179 = arith.constant 7 : i32
          %broadcast_in_dim3A_180 = vector.broadcast %broadcast_in_dim3A_179 : i32 to vector<16xi32>
          %gather3A_181 = tpu.vector_load_idx %arg12[%add3A_144, %broadcast_in_dim3A_178] : memref<256x16xf32, #tpu.memory_space<vmem>>[vector<16xi32>, vector<16xi32>], vector<16xf32>,
          %gather3A_182 = tpu.vector_load_idx %arg12[%add3A_144, %broadcast_in_dim3A_180] : memref<256x16xf32, #tpu.memory_space<vmem>>[vector<16xi32>, vector<16xi32>], vector<16xf32>,
          %mul3A_183 = arith.mulf %mul3A_136, %gather3A_181 : vector<16xf32>
          %add3A_184 = arith.addf %add3A_174, %mul3A_183 : vector<16xf32>
          %mul3A_185 = arith.mulf %mul3A_136, %gather3A_182 : vector<16xf32>
          %add3A_186 = arith.addf %add3A_176, %mul3A_185 : vector<16xf32>
          %broadcast_in_dim3A_187 = arith.constant 8 : i32
          %broadcast_in_dim3A_188 = vector.broadcast %broadcast_in_dim3A_187 : i32 to vector<16xi32>
          %broadcast_in_dim3A_189 = arith.constant 9 : i32
          %broadcast_in_dim3A_190 = vector.broadcast %broadcast_in_dim3A_189 : i32 to vector<16xi32>
          %gather3A_191 = tpu.vector_load_idx %arg12[%add3A_144, %broadcast_in_dim3A_188] : memref<256x16xf32, #tpu.memory_space<vmem>>[vector<16xi32>, vector<16xi32>], vector<16xf32>,
          %gather3A_192 = tpu.vector_load_idx %arg12[%add3A_144, %broadcast_in_dim3A_190] : memref<256x16xf32, #tpu.memory_space<vmem>>[vector<16xi32>, vector<16xi32>], vector<16xf32>,
          %mul3A_193 = arith.mulf %mul3A_137, %gather3A_191 : vector<16xf32>
          %add3A_194 = arith.addf %add3A_184, %mul3A_193 : vector<16xf32>
          %mul3A_195 = arith.mulf %mul3A_137, %gather3A_192 : vector<16xf32>
          %add3A_196 = arith.addf %add3A_186, %mul3A_195 : vector<16xf32>
          %broadcast_in_dim3A_197 = arith.constant 10 : i32
          %broadcast_in_dim3A_198 = vector.broadcast %broadcast_in_dim3A_197 : i32 to vector<16xi32>
          %broadcast_in_dim3A_199 = arith.constant 11 : i32
          %broadcast_in_dim3A_200 = vector.broadcast %broadcast_in_dim3A_199 : i32 to vector<16xi32>
          %gather3A_201 = tpu.vector_load_idx %arg12[%add3A_144, %broadcast_in_dim3A_198] : memref<256x16xf32, #tpu.memory_space<vmem>>[vector<16xi32>, vector<16xi32>], vector<16xf32>,
          %gather3A_202 = tpu.vector_load_idx %arg12[%add3A_144, %broadcast_in_dim3A_200] : memref<256x16xf32, #tpu.memory_space<vmem>>[vector<16xi32>, vector<16xi32>], vector<16xf32>,
          %mul3A_203 = arith.mulf %mul3A_138, %gather3A_201 : vector<16xf32>
          %add3A_204 = arith.addf %add3A_194, %mul3A_203 : vector<16xf32>
          %mul3A_205 = arith.mulf %mul3A_138, %gather3A_202 : vector<16xf32>
          %add3A_206 = arith.addf %add3A_196, %mul3A_205 : vector<16xf32>
          %broadcast_in_dim3A_207 = arith.constant 12 : i32
          %broadcast_in_dim3A_208 = vector.broadcast %broadcast_in_dim3A_207 : i32 to vector<16xi32>
          %broadcast_in_dim3A_209 = arith.constant 13 : i32
          %broadcast_in_dim3A_210 = vector.broadcast %broadcast_in_dim3A_209 : i32 to vector<16xi32>
          %gather3A_211 = tpu.vector_load_idx %arg12[%add3A_144, %broadcast_in_dim3A_208] : memref<256x16xf32, #tpu.memory_space<vmem>>[vector<16xi32>, vector<16xi32>], vector<16xf32>,
          %gather3A_212 = tpu.vector_load_idx %arg12[%add3A_144, %broadcast_in_dim3A_210] : memref<256x16xf32, #tpu.memory_space<vmem>>[vector<16xi32>, vector<16xi32>], vector<16xf32>,
          %mul3A_213 = arith.mulf %mul3A_139, %gather3A_211 : vector<16xf32>
          %add3A_214 = arith.addf %add3A_204, %mul3A_213 : vector<16xf32>
          %mul3A_215 = arith.mulf %mul3A_139, %gather3A_212 : vector<16xf32>
          %add3A_216 = arith.addf %add3A_206, %mul3A_215 : vector<16xf32>
          %broadcast_in_dim3A_217 = arith.constant 14 : i32
          %broadcast_in_dim3A_218 = vector.broadcast %broadcast_in_dim3A_217 : i32 to vector<16xi32>
          %broadcast_in_dim3A_219 = arith.constant 15 : i32
          %broadcast_in_dim3A_220 = vector.broadcast %broadcast_in_dim3A_219 : i32 to vector<16xi32>
          %gather3A_221 = tpu.vector_load_idx %arg12[%add3A_144, %broadcast_in_dim3A_218] : memref<256x16xf32, #tpu.memory_space<vmem>>[vector<16xi32>, vector<16xi32>], vector<16xf32>,
          %gather3A_222 = tpu.vector_load_idx %arg12[%add3A_144, %broadcast_in_dim3A_220] : memref<256x16xf32, #tpu.memory_space<vmem>>[vector<16xi32>, vector<16xi32>], vector<16xf32>,
          %mul3A_223 = arith.mulf %mul3A_140, %gather3A_221 : vector<16xf32>
          %add3A_224 = arith.addf %add3A_214, %mul3A_223 : vector<16xf32>
          %mul3A_225 = arith.mulf %mul3A_140, %gather3A_222 : vector<16xf32>
          %add3A_226 = arith.addf %add3A_216, %mul3A_225 : vector<16xf32>
          %mul3A_227 = arith.constant 2 : i32
          %mul3A_228 = arith.muli %mul3A_227, %add3A_24 : i32
          %broadcast_in_dim3A_229 = vector.broadcast %mul3A_228 : i32 to vector<16xi32>
          %mul3A_230 = arith.constant 2 : i32
          %mul3A_231 = arith.muli %mul3A_230, %add3A_24 : i32
          %add3A_232 = arith.constant 1 : i32
          %add3A_233 = arith.addi %mul3A_231, %add3A_232 : i32
          %broadcast_in_dim3A_234 = vector.broadcast %add3A_233 : i32 to vector<16xi32>
          tpu.vector_store_idx %arg13[%add3A_144, %broadcast_in_dim3A_229], %add3A_224 : memref<256x128xf32, #tpu.memory_space<vmem>>[vector<16xi32>, vector<16xi32>], vector<16xf32>,
          tpu.vector_store_idx %arg13[%add3A_144, %broadcast_in_dim3A_234], %add3A_226 : memref<256x128xf32, #tpu.memory_space<vmem>>[vector<16xi32>, vector<16xi32>], vector<16xf32>,
        }
        %scan3A_98 = arith.constant 16 : i32
      }
      %scan3A_19 = arith.constant 64 : i32
      "tpu.region"() ({
        %run_scoped3A = tpu.sem_alloc : memref<!tpu.dma_semaphore, #tpu.memory_space<semaphore_mem>>
        %dma_start3A = arith.constant 0 : i32
        %dma_start3A_20 = tpu.memref_slice %arg6[%add3A_14, %dma_start3A] : memref<131072x128xf32, #tpu.memory_space<hbm>> -> memref<256x128xf32, #tpu.memory_space<hbm>>
        %dma_start3A_21 = arith.constant 0 : i32
        %dma_start3A_22 = tpu.memref_slice %arg6[%add3A_14, %dma_start3A_21] : memref<131072x128xf32, #tpu.memory_space<hbm>> -> memref<256x128xf32, #tpu.memory_space<hbm>>
        tpu.enqueue_dma source(%arg13 : memref<256x128xf32, #tpu.memory_space<vmem>>) target(%dma_start3A_22 : memref<256x128xf32, #tpu.memory_space<hbm>>) target_semaphore(%run_scoped3A : memref<!tpu.dma_semaphore, #tpu.memory_space<semaphore_mem>>)
        %dma_wait3A = arith.constant 0 : i32
        %dma_wait3A_23 = tpu.memref_slice %arg6[%add3A_14, %dma_wait3A] : memref<131072x128xf32, #tpu.memory_space<hbm>> -> memref<256x128xf32, #tpu.memory_space<hbm>>
        %dma_wait3A_24 = arith.constant 0 : i32
        %dma_wait3A_25 = tpu.memref_slice %arg6[%add3A_14, %dma_wait3A_24] : memref<131072x128xf32, #tpu.memory_space<hbm>> -> memref<256x128xf32, #tpu.memory_space<hbm>>
        tpu.wait_dma2 semaphore(%run_scoped3A : memref<!tpu.dma_semaphore, #tpu.memory_space<semaphore_mem>>) src(%arg13 : memref<256x128xf32, #tpu.memory_space<vmem>>) dst(%dma_wait3A_25 : memref<256x128xf32, #tpu.memory_space<hbm>>)
        tpu.yield
      }) : () -> ()
    }
    %scan3A_6 = arith.constant 16 : i32
    return
  }
}

</mosaic_0001>

<sc_bundles>
// kernel: kernel.3.cloned.1.call-start
scs
__scs_entry_jumppad:
0x0: {  	(pc) =	sbr.rel $0x88, $3  }
0x1: {  	(tag) =	ssettag $0x0;
	lr =	simm.s32 $0x1  }
0x2: {  	[smem:$0x3F9E] =	sst lr;
	_ =	strace $0xD0000000  }
0x3: {  	_ = 	snop  }
0x4: {  	_ = 	snop  }
0x5: {  	_ = 	snop  }
0x6: {  	_ = 	snop  }
0x7: {  	_ = 	snop  }
__scs_overlays_trampoline_lowered:
0x8: {  	[smem:$0x3FAD] =	sst s0  }
0x9: {  	[smem:$0x3FAE] =	sst s1  }
0xa: {  	[smem:$0x3FAF] =	sst s2  }
0xb: {  	[smem:$0x3FB0] =	sst s3  }
0xc: {  	[smem:$0x3FB1] =	sst s4  }
0xd: {  	[smem:$0x3FB2] =	sst s5  }
0xe: {  	[smem:$0x3FB3] =	sst s6  }
0xf: {  	[smem:$0x3FB4] =	sst s7  }
0x10: {  	[smem:$0x3FB5] =	sst s8  }
0x11: {  	[smem:$0x3FB6] =	sst s9;
	s0 =	simm.s32 @!p0 $0x0  }
0x12: {  	s1 =	sld [smem:$0x3F9C];
	s0 =	simm.s32 @p0 $0x1  }
0x13: {  	[smem:$0x3FB7] =	sst s0;
	s0 =	simm.s32 @!p1 $0x0  }
0x14: {  	s2 =	sld [smem:$0x3F9B];
	s0 =	simm.s32 @p1 $0x1  }
0x15: {  	[smem:$0x3FB8] =	sst s0;
	s0 =	simm.s32 @!p2 $0x0  }
0x16: {  	s3 =	sld [smem:$0x3FDB];
	s0 =	simm.s32 @p2 $0x1  }
0x17: {  	s4 =	simm.s32 $0x1BF5;
	[smem:$0x3FBA] =	sst s0  }
0x18: {  	s0 =	sld [smem:$0x3F9D];
	_ =	swait.ge [sflag:s4], $0x0  }
0x19: {  	s7 =	sld [smem:$0x3F9E]  }
0x1a: {  	s8 =	sadd.s32 $0xFFFFE003, lr  }
0x1b: {  	s9 =	sadd.s32 $0xFFFFFEF7, lr;
	s5 =	simm.s32 $0xFFFFFFFF;
	p2 =	slt.u32 s8, $0xFFFFF086  }
0x1c: {  	p1 =	slt.u32 s9, $0xF7A;
	s5 =	simm.s32 @!p2 $0x0  }
0x1d: {  	s5 =	simm.s32 @p1 $0x1;
	p0 =	seq.s32 s7, s2  }
0x1e: {  	s7 =	smul.u32 @!p0 $0xF7A, s2;
	p2 =	seq.s32 @!p0 s5, $0x0  }
0x1f: {  	s9 =	smul.u32 $0xF7A, s1;
	s8 =	simm.s32 @!p0 $0x1BF5;
	p2 =	por !p2, p0  }
0x20: {  	[sflag:s8] =	ssyncset.s32 @!p0 $0xFFFFF086;
	s6 =	sadd.s32 @!p0 s3, s7;
	s7 =	simm.s32 @!p0 $0x108  }
0x21: {  	s3 =	sadd.s32 s3, s9;
	s6 =	sadd.s32 @!p0 $0x88, s6;
	s7 =	simm.s32 @p2 $0x1082  }
0x22: {  	[simem:s7], [sflag:s8] =	dma.local @!p0 [hbm:s6], $0xF7A  }
0x23: {  	s9 =	sor.u32 $0xD0000000, s2;
	s6 =	simm.s32 $0x108;
	_ =	swait.ge @!p0 [sflag:s8], $0x0  }
0x24: {  	s3 =	sadd.s32 $0x88, s3;
	s6 =	simm.s32 @!p1 $0x1082;
	[sflag:s4] =	ssyncset.s32 $0xFFFFF086  }
0x25: {  	[simem:s6], [sflag:s4] =	dma.local [hbm:s3], $0xF7A  }
0x26: {  	[smem:$0x3F9E] =	sst s1;
	(tag) =	ssettag s2;
	_ =	strace s9  }
0x27: {  	s1 =	sld [smem:$0x3FAE]  }
0x28: {  	s2 =	sld [smem:$0x3FAF]  }
0x29: {  	s4 =	sld [smem:$0x3FB1]  }
0x2a: {  	p0 =	seq.s32 s5, $0x0;
	s5 =	sld [smem:$0x3FB2]  }
0x2b: {  	s6 =	sld [smem:$0x3FB3]  }
0x2c: {  	s7 =	sld [smem:$0x3FB4]  }
0x2d: {  	s3 =	simm.s32 $0x108;
	s8 =	sld [smem:$0x3FB5]  }
0x2e: {  	s3 =	simm.s32 @!p0 $0x1082;
	s9 =	sld [smem:$0x3FB6]  }
0x2f: {  	lr =	sadd.s32 s0, s3;
	s0 =	sld [smem:$0x3FAD]  }
0x30: {  	s3 =	sld [smem:$0x3FB0]  }
0x31: {  	[smem:$0x3FB9] =	sst s10  }
0x32: {  	s10 =	sld [smem:$0x3FB7];
	_ =	sdelay $0x3  }
0x33: {  	p0 =	seq.s32 s10, $0x1;
	s10 =	sld [smem:$0x3FB9];
	_ =	sdelay $0x3  }
0x34: {  	[smem:$0x3FB9] =	sst s10  }
0x35: {  	s10 =	sld [smem:$0x3FB8];
	_ =	sdelay $0x3  }
0x36: {  	p1 =	seq.s32 s10, $0x1;
	s10 =	sld [smem:$0x3FB9];
	_ =	sdelay $0x3  }
0x37: {  	[smem:$0x3FB9] =	sst s10  }
0x38: {  	s10 =	sld [smem:$0x3FBA]  }
0x39: {  	_ = 	snop;
	(pc) =	sbr.ind lr, $3  }
0x3a: {  	_ = 	snop  }
0x3b: {  	_ = 	snop  }
0x3c: {  	p2 =	seq.s32 s10, $0x1;
	s10 =	sld [smem:$0x3FB9]  }
0x3d: {  	_ =	shalt  }
0x3e: {  	_ =	shalt  }
0x3f: {  	_ =	shalt  }
0x40: {  	_ =	shalt  }
0x41: {  	_ =	shalt  }
0x42: {  	_ =	shalt  }
0x43: {  	_ =	shalt  }
0x44: {  	_ =	shalt  }
0x45: {  	_ =	shalt  }
0x46: {  	_ =	shalt  }
0x47: {  	_ =	shalt  }
0x48: {  	_ =	shalt  }
0x49: {  	_ =	shalt  }
0x4a: {  	_ =	shalt  }
0x4b: {  	_ =	shalt  }
0x4c: {  	_ =	shalt  }
0x4d: {  	_ =	shalt  }
0x4e: {  	_ =	shalt  }
0x4f: {  	_ =	shalt  }
0x50: {  	_ =	shalt  }
0x51: {  	_ =	shalt  }
0x52: {  	_ =	shalt  }
0x53: {  	_ =	shalt  }
0x54: {  	_ =	shalt  }
0x55: {  	_ =	shalt  }
0x56: {  	_ =	shalt  }
0x57: {  	_ =	shalt  }
0x58: {  	_ =	shalt  }
0x59: {  	_ =	shalt  }
0x5a: {  	_ =	shalt  }
0x5b: {  	_ =	shalt  }
0x5c: {  	_ =	shalt  }
0x5d: {  	_ =	shalt  }
0x5e: {  	_ =	shalt  }
0x5f: {  	_ =	shalt  }
0x60: {  	_ =	shalt  }
0x61: {  	_ =	shalt  }
0x62: {  	_ =	shalt  }
0x63: {  	_ =	shalt  }
0x64: {  	_ =	shalt  }
0x65: {  	_ =	shalt  }
0x66: {  	_ =	shalt  }
0x67: {  	_ =	shalt  }
0x68: {  	_ =	shalt  }
0x69: {  	_ =	shalt  }
0x6a: {  	_ =	shalt  }
0x6b: {  	_ =	shalt  }
0x6c: {  	_ =	shalt  }
0x6d: {  	_ =	shalt  }
0x6e: {  	_ =	shalt  }
0x6f: {  	_ =	shalt  }
0x70: {  	_ =	shalt  }
0x71: {  	_ =	shalt  }
0x72: {  	_ =	shalt  }
0x73: {  	_ =	shalt  }
0x74: {  	_ =	shalt  }
0x75: {  	_ =	shalt  }
0x76: {  	_ =	shalt  }
0x77: {  	_ =	shalt  }
0x78: {  	_ =	shalt  }
0x79: {  	_ =	shalt  }
0x7a: {  	_ =	shalt  }
0x7b: {  	_ =	shalt  }
0x7c: {  	_ =	shalt  }
0x7d: {  	_ =	shalt  }
0x7e: {  	_ =	shalt  }
0x7f: {  	_ =	shalt  }
0x80: {  	_ =	shalt  }
0x81: {  	_ =	shalt  }
0x82: {  	_ =	shalt  }
0x83: {  	_ =	shalt  }
0x84: {  	_ =	shalt  }
0x85: {  	_ =	shalt  }
0x86: {  	_ =	shalt  }
0x87: {  	_ =	shalt  }
.Lfunc_end0:
.L_simem_size_0:
called_computation.2_lowered:
.L_overlay_start_0:
0x88: {  	s2 =	sld [smem:$0x3FD9]  }
0x89: {  	s3 =	sld [smem:$0x3FFE];
	_ =	sdelay $0x1  }
0x8a: {  	s1 =	srdreg.scid  }
0x8b: {  	s0 =	sand.u32 $0x1, s1  }
0x8c: {  	s17 =	sshll.u32 s0, $0xA;
	s2 =	sadd.s32 s3, s2  }
0x8d: {  	s2 =	sadd.s32 s2, s17  }
0x8e: {  	[smem:$0x3FC5] =	sst s2  }
0x8f: {  	_ = 	snop  }
0x90: {  	s2 =	sld [smem:$0x3FD0];
	(tm) =	ssettm $0x1  }
0x91: {  	s18 =	sld [smem:$0x3FFB];
	_ =	sdelay $0x3  }
0x92: {  	_ =	strace s18  }
0x93: {  	s3 =	sld [smem:$0x3FFC];
	_ =	sdelay $0x3  }
0x94: {  	_ =	strace s3  }
0x95: {  	s3 =	sld [smem:$0x3FFD];
	_ =	sdelay $0x3  }
0x96: {  	_ =	strace s3  }
0x97: {  	_ =	strace $0x8FFFFFFF  }
0x98: {  	s19 =	sld [smem:$0x3FDB];
	_ =	sdelay $0x1  }
0x99: {  	s4 =	simm.s32 $_scs_section_size  }
0x9a: {  	s5 =	simm.s32 $_size__tile_overlayer_lowered;
	s6 =	simm.s32 $_tile_overlayer_lowered  }
0x9b: {  	s22 =	simm.s32 $0x1BFF;
	s21 =	sshll.u32 s6, $0x1;
	s3 =	sadd.s32 s4, s19  }
0x9c: {  	s7 =	simm.s32 $0x0;
	s20 =	sshll.u32 s5, $0x1;
	s5 =	sadd.s32 s21, s3  }
0x9d: {  	[timem:s7], [sflag:s22] =	dma.local [hbm:s5], s20  }
0x9e: {  	_ =	swait.ge [sflag:s22], s20  }
0x9f: {  	s4 =	ssub.s32 $0x0, s20;
	[sflag:s22] =	ssyncset.done $0x0  }
0xa0: {  	[sflag:s22] =	ssyncadd.s32 s4;
	_ =	sdelay $0x1  }
0xa1: {  	s23 =	simm.s32 $0x1B8B  }
0xa2: {  	_ =	swait.ge [sflag:s23], $0x1  }
0xa3: {  	[sflag:s23] =	ssyncset.done $0x0  }
0xa4: {  	s25 =	simm.s32 $0x1B8E;
	s24 =	sld [smem:$0x3FFE];
	[sflag:s23] =	ssyncadd.s32 $0xFFFFFFFF  }
0xa5: {  	s26 =	simm.s32 $execute0_lowered;
	[smem:$0x3FD2] =	sst s25  }
0xa6: {  	s5 =	sshll.u32 s26, $0x1;
	_ =	strace $0x8000004C;
	[dreg:$0x1] =	wrdreg $0xFFFFFFFF  }
0xa7: {  	s28 =	simm.s32 $_size_execute0_lowered;
	s3 =	sadd.s32 s3, s5;
	[dreg:$0x0] =	wrdreg $0x0  }
0xa8: {  	s5 =	sshll.u32 s28, $0x1;
	[dreg:$0x2] =	wrdreg s3  }
0xa9: {  	[dreg:$0x3] =	wrdreg s5  }
0xaa: {  	[dreg:$0x4] =	wrdreg $0xC0  }
0xab: {  	_ =	task [dreg:s7], $0x5FFFF  }
0xac: {  	[dreg:$0x1] =	wrdreg $0xFFFFFFFF  }
0xad: {  	[dreg:$0x0] =	wrdreg $0x60  }
0xae: {  	[dreg:$0x2] =	wrdreg s24  }
0xaf: {  	[dreg:$0x3] =	wrdreg s2  }
0xb0: {  	[dreg:$0x4] =	wrdreg $0x9  }
0xb1: {  	_ =	task.clear_ibuf [dreg:s7], $0x5FFFF;
	_ =	strace $0x9000004C  }
0xb2: {  	s29 =	simm.s32 $0x9;
	_ =	strace $0x8000004E  }
0xb3: {  	_ =	swait.ge [sflag:s29], $0x1  }
0xb4: {  	[sflag:s29] =	ssyncadd.s32 $0xFFFFFFFF  }
0xb5: {  	_ =	strace $0x9000004E  }
0xb6: {  	_ =	sfence  }
0xb7: {  	s30 =	sld [smem:$0x0];
	_ =	sdelay $0x2  }
0xb8: {  	s31 =	sshll.u32 s1, $0xD;
	s1 =	sshrl.u32 s1, $0x2  }
0xb9: {  	s3 =	sand.u32 $0x4000, s31;
	s1 =	sadd.s32 s1, s30  }
0xba: {  	s0 =	sor.u32 s3, s0;
	s1 =	sshll.u32 s1, $0x11  }
0xbb: {  	s0 =	sor.u32 s1, s0  }
0xbc: {  	s0 =	sadd.s32 $0x8F2B, s0  }
0xbd: {  	[sflag:s0] =	ssyncadd.remote.s32 $0x1  }
0xbe: {  	_ =	sfence.sel $0xFFFF  }
0xbf: {  	[dreg:$0x0] =	wrdreg $0xFFFFFFFF;
	(pc) =	sbr.abs _section_cstart, $3  }
0xc0: {  	[dreg:$0x1] =	wrdreg $0xFFFFFFFF  }
0xc1: {  	_ =	task.clear_ibuf [dreg:s7], $0x2FFFF;
	_ =	strace $0x9FFFFFFF  }
0xc2: {  	(tm) =	ssettm $0x7FFFFFFF  }
0xc3: {  	_ =	shalt  }
tec
execute0_lowered:
.L_overlay_start_1:
0x0: {  	(tag) =	ssettag $0x1  }
0x1: {  	s0 =	rddreg [dreg:$0x0]  }
0x2: {  	s1 =	rddreg [dreg:$0x1]  }
0x3: {  	s2 =	simm.s32 $0x0;
	s3 =	srdreg.scid;
	s11 =	simm.s32 $0x200  }
0x4: {  	s12 =	simm.s32 $0x1;
	s13 =	simm.s32 $0x80;
	s14 =	simm.s32 $0x900  }
0x5: {  	s15 =	simm.s32 $0xA00;
	s16 =	simm.s32 $0x980;
	s17 =	simm.s32 $0x1200  }
0x6: {  	s18 =	simm.s32 $0x2;
	s19 =	simm.s32 $0x1A00;
	s20 =	simm.s32 $0x3  }
0x7: {  	s21 =	simm.s32 $0x0;
	s24 =	simm.s32 $0x0;
	[smem:$0x7FF] =	sst s2  }
0x8: {  	s7 =	sand.u32 $0x1, s3;
	s4 =	sadd.s32 $0x302000, s0;
	s5 =	sadd.s32 $0x202000, s0  }
0x9: {  	s6 =	sadd.s32 $0x102000, s0;
	s3 =	stileid.u32;
	s8 =	ssub.s32 $0x2, s7  }
0xa: {  	_ =	strace $0x8000004D;
	s31 =	sshll.u32 s3, $0xD;
	s9 =	sshrl.u32 s8, $0x1  }
0xb: {  	s10 =	sshll.u32 s7, $0xC;
	s7 =	sadd.s32 $0x2000, s0;
	s9 =	ssub.s32 s8, s9  }
0xc: {  	v0 =	vimm.f32 $0.0e+00;
	v1 =	vlaneseq.u32;
	s8 =	sor.u32 s10, s31;
	s10 =	simm.s32 $0x100;
	s9 =	smax.u32 s9, $0x1  }
.LBB2_1:
0xd: {  	s22 =	simm.s32 $0x0  }
.LBB2_2:
0xe: {  	s0 =	sshll.u32 s22, $0x8  }
0xf: {  	s25 =	simm.s32 $0x0;
	s23 =	sadd.s32 s8, s0  }
.LBB2_3:
0x10: {  	s0 =	sshll.u32 s25, $0x11  }
0x11: {  	s0 =	sadd.s32 s23, s0  }
0x12: {  	s0 =	sshrl.u32 s0, $0x3  }
0x13: {  	s26 =	sadd.s32 s5, s0  }
0x14: {  	[tilespmem:s24], [sflag:$0x1] =	stream.linear.gather [hbm4b:s26+s24], $0x100, $0x38;
	[tilespmem:$0x9A00] =	vst v63  }
0x15: {  	s31 =	sadd.s32 s6, s0  }
0x16: {  	[tilespmem:s10], [sflag:$0x1] =	stream.linear.gather [hbm4b:s31+s24], $0x100, $0x38;
	[tilespmem:$0x9A00] =	vst v63  }
0x17: {  	s0 =	sadd.s32 s7, s0  }
0x18: {  	[tilespmem:s11], [sflag:$0x1] =	stream.linear.gather [hbm4b:s0+s24], $0x100, $0x38;
	[tilespmem:$0x9A00] =	vst v63  }
0x19: {  	_ =	swait.ge [sflag:s12], $0x100  }
0x1a: {  	[sflag:s12] =	ssyncset.done $0x0  }
0x1b: {  	[sflag:s12] =	ssyncadd.s32 $0xFFFFFF00  }
0x1c: {  	_ =	swait.ge [sflag:s12], $0x100  }
0x1d: {  	[sflag:s12] =	ssyncset.done $0x0  }
0x1e: {  	[sflag:s12] =	ssyncadd.s32 $0xFFFFFF00  }
0x1f: {  	_ =	swait.ge [sflag:s12], $0x100  }
0x20: {  	[sflag:s12] =	ssyncset.done $0x0  }
0x21: {  	s26 =	simm.s32 $0x0;
	[sflag:s12] =	ssyncadd.s32 $0xFFFFFF00  }
0x22: {  	v2 =	vld [tilespmem:s26+$0x200]  }
0x23: {  	v3 =	vld [tilespmem:s26+$0x0]  }
0x24: {  	v4 =	vld [tilespmem:s26+$0x100];
	_ =	sdelay $0x2  }
0x25: {  	v2 =	vadd.f32 $1.000000000e+00, v2  }
0x26: {  	v3 =	vadd.f32 $1.000000000e+00, v3  }
0x27: {  	v4 =	vadd.f32 $1.000000000e+00, v4;
	v2 =	vmul.f32 $3.150000000e+01, v2  }
0x28: {  	v3 =	vmul.f32 $3.150000000e+01, v3  }
0x29: {  	v4 =	vmul.f32 $3.150000000e+01, v4;
	v2 =	vmax.f32 v2, $-2.000000000e+00  }
0x2a: {  	v3 =	vmax.f32 v3, $-2.000000000e+00;
	v6 =	vmin.f32 v2, $6.600000000e+01  }
0x2b: {  	v8 =	vmin.f32 v3, $6.600000000e+01;
	v2 =	vmax.f32 v4, $-2.000000000e+00;
	v3 =	vtrunc.f32 v6  }
0x2c: {  	v4 =	vtrunc.f32 v8;
	v7 =	vmin.f32 v2, $6.600000000e+01;
	v2 =	vcvt.f32.s32 v3  }
0x2d: {  	v3 =	vcvt.f32.s32 v4;
	v4 =	vtrunc.f32 v7  }
0x2e: {  	v4 =	vcvt.f32.s32 v4;
	v2 =	vcvt.s32.f32 v2  }
0x2f: {  	v3 =	vcvt.s32.f32 v3  }
0x30: {  	v4 =	vcvt.s32.f32 v4;
	vm0 =	vlt.f32 v6, v2  }
0x31: {  	vm1 =	vlt.f32 v8, v3;
	v5 =	vsel vm0, $0x3F800000, v0  }
0x32: {  	s30 =	sshll.u32 s25, $0x12;
	v9 =	vsel vm1, $0x3F800000, v0;
	vm0 =	vlt.f32 v7, v4;
	v5 =	vsub.f32 v2, v5  }
0x33: {  	v2 =	vmov s30;
	v3 =	vsub.f32 v3, v9;
	v9 =	vsel vm0, $0x3F800000, v0  }
0x34: {  	v4 =	vsub.f32 v4, v9;
	v6 =	vsub.f32 v6, v5;
	v9 =	vmax.f32 v5, $0.0e+00  }
0x35: {  	vm0 =	vlt.f32 v3, $0.0e+00;
	v10 =	vmax.f32 v3, $0.0e+00;
	vm2 =	vge.f32 v5, $0.0e+00  }
0x36: {  	vm3 =	vle.f32 v5, $6.300000000e+01;
	v9 =	vmin.f32 v9, $6.300000000e+01;
	v11 =	vmax.f32 v4, $0.0e+00  }
0x37: {  	v10 =	vmin.f32 v10, $6.300000000e+01;
	v9 =	vtrunc.f32 v9;
	v11 =	vmin.f32 v11, $6.300000000e+01  }
0x38: {  	vm5 =	vge.f32 v5, $-1.000000000e+00;
	v10 =	vtrunc.f32 v10;
	v11 =	vtrunc.f32 v11  }
0x39: {  	vm7 =	vle.f32 v5, $6.200000000e+01;
	v10 =	vcvt.f32.s32 v10;
	v11 =	vcvt.f32.s32 v11  }
0x3a: {  	v8 =	vsub.f32 v8, v3;
	vm1 =	vge.f32 v4, $0.0e+00;
	v12 =	vcvt.f32.s32 v9  }
0x3b: {  	s31 =	sand.u32 $0x200, s24;
	vm4 =	vle.f32 v4, $6.200000000e+01;
	v10 =	vadd.s32 v10, v2;
	v11 =	vshll.u32 v11, $0x6  }
0x3c: {  	s28 =	sand.u32 $0x70, s24;
	s0 =	sshrl.u32 s31, $0x2;
	v7 =	vsub.f32 v7, v4;
	v12 =	vshll.u32 v12, $0xC;
	v10 =	vadd.s32 v11, v10  }
0x3d: {  	s0 =	sor.u32 s28, s0;
	vm6 =	vmand vm2, vm3;
	vm8 =	vge.f32 v4, $-1.000000000e+00;
	v10 =	vadd.s32 v12, v10  }
0x3e: {  	s29 =	simm.s32 $0x40;
	s28 =	simm.s32 $0x0;
	vm3 =	vle.f32 v3, $6.300000000e+01;
	vm2 =	vle.f32 v4, $6.300000000e+01;
	v9 =	vsub.f32 $1.000000000e+00, v6;
	[tilespmem:s0+$0x900] =	vst v10  }
.LBB2_4:
0x3f: {  	s31 =	sshra.s32 s29, $0x2  }
0x40: {  	vm4 =	vmand vm8, vm4;
	v10 =	vsel vm6, $0x3F800000, v0;
	vm5 =	vmand vm5, vm7;
	s28 =	sadd.s32 $0x10, s28;
	s30 =	smov.u32 s29;
	s0 =	sadd.s32 $0x40, s29  }
0x41: {  	p0 =	sne.s32 s29, $0x3C0;
	v11 =	vsel vm4, $0x3F800000, v0;
	v12 =	vsel vm5, $0x3F800000, v0;
	v9 =	vmul.f32 v10, v9  }
0x42: {  	vm6 =	vlt.f32 v5, $0.0e+00;
	vm4 =	vge.f32 v3, $-1.000000000e+00;
	vm5 =	vle.f32 v3, $6.200000000e+01;
	v10 =	vld [tilespmem:s31+$0x200]  }
0x43: {  	vm4 =	vmand vm4, vm5;
	v11 =	vmul.f32 v11, v7;
	v6 =	vmul.f32 v12, v6;
	v5 =	vld [tilespmem:s31+$0x0]  }
0x44: {  	v14 =	vsub.f32 $1.000000000e+00, v8;
	v13 =	vsel vm4, $0x3F800000, v0;
	vm4 =	vlt.f32 v4, $0.0e+00;
	v12 =	vld [tilespmem:s31+$0x100]  }
0x45: {  	vm5 =	vge.f32 v3, $0.0e+00;
	v3 =	vsub.f32 $1.000000000e+00, v7;
	v4 =	vsel vm6, v6, v9  }
0x46: {  	vm1 =	vmand vm1, vm2;
	vm3 =	vmand vm5, vm3;
	v6 =	vsel vm6, $0x0, v6;
	[tilespmem:s26+$0x700] =	vst v4  }
0x47: {  	v7 =	vsel vm3, $0x3F800000, v0;
	v9 =	vsel vm1, $0x3F800000, v0;
	v4 =	vadd.f32 $1.000000000e+00, v10;
	[tilespmem:s26+$0x800] =	vst v6  }
0x48: {  	v6 =	vmul.f32 v7, v14;
	v7 =	vmul.f32 v13, v8;
	v5 =	vadd.f32 $1.000000000e+00, v5  }
0x49: {  	v3 =	vmul.f32 v9, v3;
	v8 =	vadd.f32 $1.000000000e+00, v12;
	v4 =	vmul.f32 $3.150000000e+01, v4  }
0x4a: {  	v9 =	vsel vm4, $0x0, v11;
	v6 =	vsel vm0, v7, v6;
	v5 =	vmul.f32 $3.150000000e+01, v5  }
0x4b: {  	v3 =	vsel vm4, v11, v3;
	v8 =	vmul.f32 $3.150000000e+01, v8;
	v4 =	vmax.f32 v4, $-2.000000000e+00;
	[tilespmem:s26+$0x600] =	vst v9  }
0x4c: {  	v5 =	vmax.f32 v5, $-2.000000000e+00;
	v9 =	vmin.f32 v4, $6.600000000e+01;
	v4 =	vsel vm0, $0x0, v7;
	[tilespmem:s26+$0x300] =	vst v6  }
0x4d: {  	v10 =	vmin.f32 v5, $6.600000000e+01;
	v5 =	vmax.f32 v8, $-2.000000000e+00;
	v6 =	vtrunc.f32 v9;
	[tilespmem:s26+$0x400] =	vst v4  }
0x4e: {  	v4 =	vtrunc.f32 v10;
	v7 =	vmin.f32 v5, $6.600000000e+01;
	v5 =	vcvt.f32.s32 v6;
	[tilespmem:s26+$0x500] =	vst v3;
	s26 =	smov.u32 s31  }
0x4f: {  	v3 =	vcvt.f32.s32 v4;
	v4 =	vtrunc.f32 v7  }
0x50: {  	v4 =	vcvt.f32.s32 v4;
	v5 =	vcvt.s32.f32 v5  }
0x51: {  	v3 =	vcvt.s32.f32 v3  }
0x52: {  	v4 =	vcvt.s32.f32 v4;
	vm0 =	vlt.f32 v9, v5  }
0x53: {  	vm1 =	vlt.f32 v10, v3;
	v6 =	vsel vm0, $0x3F800000, v0  }
0x54: {  	v8 =	vsel vm1, $0x3F800000, v0;
	vm0 =	vlt.f32 v7, v4;
	v5 =	vsub.f32 v5, v6  }
0x55: {  	v3 =	vsub.f32 v3, v8;
	v6 =	vsel vm0, $0x3F800000, v0  }
0x56: {  	v4 =	vsub.f32 v4, v6;
	v6 =	vsub.f32 v9, v5;
	v8 =	vmax.f32 v5, $0.0e+00  }
0x57: {  	vm0 =	vlt.f32 v3, $0.0e+00;
	v9 =	vmax.f32 v3, $0.0e+00;
	v8 =	vmin.f32 v8, $6.300000000e+01  }
0x58: {  	v9 =	vmin.f32 v9, $6.300000000e+01;
	v11 =	vmax.f32 v4, $0.0e+00;
	v8 =	vtrunc.f32 v8  }
0x59: {  	v9 =	vtrunc.f32 v9;
	v11 =	vmin.f32 v11, $6.300000000e+01;
	v8 =	vcvt.f32.s32 v8  }
0x5a: {  	v12 =	vcvt.f32.s32 v9;
	v11 =	vtrunc.f32 v11;
	v9 =	vsub.f32 $1.000000000e+00, v6  }
0x5b: {  	vm1 =	vge.f32 v4, $0.0e+00;
	vm4 =	vle.f32 v4, $6.200000000e+01;
	v11 =	vcvt.f32.s32 v11  }
.Ltmp0:
0x5c: {  	vm2 =	vge.f32 v5, $0.0e+00;
	v7 =	vsub.f32 v7, v4;
	v12 =	vadd.s32 v12, v2;
	(pc) =	sbr.rel @p0 .LBB2_4-.Ltmp0, $4  }
0x5d: {  	s29 =	sand.u32 $0x200, s30;
	vm3 =	vle.f32 v5, $6.300000000e+01;
	vm5 =	vge.f32 v5, $-1.000000000e+00;
	v11 =	vshll.u32 v11, $0x6  }
0x5e: {  	s30 =	sand.u32 $0x70, s28;
	s29 =	sshrl.u32 s29, $0x2;
	vm6 =	vmand vm2, vm3;
	v8 =	vshll.u32 v8, $0xC;
	v11 =	vadd.s32 v11, v12  }
0x5f: {  	s29 =	sor.u32 s30, s29;
	vm7 =	vle.f32 v5, $6.200000000e+01;
	vm8 =	vge.f32 v4, $-1.000000000e+00;
	v11 =	vadd.s32 v8, v11  }
0x60: {  	vm3 =	vle.f32 v3, $6.300000000e+01;
	vm2 =	vle.f32 v4, $6.300000000e+01;
	v8 =	vsub.f32 v10, v3;
	[tilespmem:s29+$0x900] =	vst v11;
	s29 =	smov.u32 s0  }
0x61: {  	vm4 =	vmand vm8, vm4;
	v2 =	vsel vm6, $0x3F800000, v0;
	vm5 =	vmand vm5, vm7  }
0x62: {  	vm11 =	vge.f32 v3, $-1.000000000e+00;
	vm12 =	vle.f32 v3, $6.200000000e+01;
	vm13 =	vlt.f32 v5, $0.0e+00  }
0x63: {  	vm14 =	vge.f32 v3, $0.0e+00;
	vm15 =	vlt.f32 v4, $0.0e+00;
	v3 =	vsub.f32 $1.000000000e+00, v7  }
0x64: {  	vm1 =	vmand vm1, vm2;
	v10 =	vsel vm4, $0x3F800000, v0;
	v11 =	vsel vm5, $0x3F800000, v0  }
0x65: {  	v2 =	vmul.f32 v2, v9;
	vm4 =	vmand vm11, vm12;
	v6 =	vmul.f32 v11, v6  }
0x66: {  	v38 =	vsub.f32 $1.000000000e+00, v8;
	vm3 =	vmand vm14, vm3;
	v5 =	vmul.f32 v10, v7  }
0x67: {  	v37 =	vsel vm4, $0x3F800000, v0;
	v4 =	vsel vm3, $0x3F800000, v0;
	v2 =	vsel vm13, v6, v2  }
0x68: {  	v6 =	vsel vm13, $0x0, v6;
	[tilespmem:s26+$0x700] =	vst v2;
	v2 =	vmul.f32 v4, v38;
	v4 =	vmul.f32 v37, v8  }
0x69: {  	v7 =	vsel vm1, $0x3F800000, v0;
	[tilespmem:s26+$0x800] =	vst v6;
	v6 =	vsel vm15, $0x0, v5  }
0x6a: {  	v3 =	vmul.f32 v7, v3;
	[tilespmem:s26+$0x600] =	vst v6;
	v2 =	vsel vm0, v4, v2  }
0x6b: {  	v4 =	vsel vm0, $0x0, v4;
	[tilespmem:s26+$0x300] =	vst v2  }
0x6c: {  	v2 =	vsel vm15, v5, v3;
	[tilespmem:s26+$0x400] =	vst v4  }
0x6d: {  	[tilespmem:s26+$0x500] =	vst v2  }
0x6e: {  	[tilespmem:s15], [sflag:$0x2] =	stream.indirect.gather [hbm4b:s4+s13], $0x10, s14, s13, $0xb8;
	[tilespmem:$0x9A00] =	vst v63  }
0x6f: {  	s0 =	simm.s32 $0x0  }
0x70: {  	v5 =	vor.u32 s0, v1;
	[tilespmem:s17], [sflag:$0x2] =	stream.indirect.gather [hbm4b:s4+s13], $0x10, s16, s13, $0xb8;
	[tilespmem:$0x9A00] =	vst v63  }
0x71: {  	v4 =	vshll.u32 v5, $0x4;
	_ =	swait.ge [sflag:s18], $0x800  }
0x72: {  	v2 =	vor.u32 $0x1, v4;
	[sflag:s18] =	ssyncset.done $0x0  }
0x73: {  	[sflag:s18] =	ssyncadd.s32 $0xFFFFF800  }
0x74: {  	_ =	swait.ge [sflag:s18], $0x800  }
0x75: {  	[sflag:s18] =	ssyncset.done $0x0  }
0x76: {  	[sflag:s18] =	ssyncadd.s32 $0xFFFFF800  }
0x77: {  	s26 =	simm.s32 $0x600;
	v6 =	vld.idx.msk [tilespmem:v2+s15+$0x0], $0xffff  }
0x78: {  	v7 =	vld [tilespmem:s26+$0x100]  }
0x79: {  	v8 =	vld [tilespmem:s26+$0xFFFFFF00]  }
0x7a: {  	s30 =	sshllo.u32 s25, $0x1;
	v3 =	vor.u32 $0x2, v4;
	v41 =	vld [tilespmem:s26+$0xFFFFFD00]  }
0x7b: {  	v14 =	vmov s30;
	v40 =	vor.u32 $0x3, v4;
	v13 =	vld [tilespmem:s26+$0x0]  }
0x7c: {  	v14 =	vand.u32 $0x7F, v14;
	v12 =	vor.u32 $0x4, v4;
	v15 =	vor.u32 $0x5, v4;
	v24 =	vld [tilespmem:s26+$0x200]  }
0x7d: {  	s29 =	sshll.u32 s25, $0x1;
	v17 =	vor.u32 $0x6, v4;
	v42 =	vor.u32 $0x7, v4;
	v20 =	vor.u32 $0x8, v4;
	v16 =	vld [tilespmem:s26+$0xFFFFFE00]  }
0x7e: {  	v22 =	vor.u32 $0x9, v4;
	v23 =	vor.u32 $0xE, v4;
	v39 =	vld.idx.msk [tilespmem:v4+s15+$0x0], $0xffff;
	v2 =	vmov s29  }
0x7f: {  	v19 =	vld.idx.msk [tilespmem:v3+s15+$0x0], $0xffff;
	v3 =	vbroadcast v14, $0x0;
	v2 =	vand.u32 $0x7E, v2;
	v18 =	vmul.f32 v7, v8  }
0x80: {  	v25 =	vor.u32 $0xA, v4;
	v10 =	vld.idx.msk [tilespmem:v40+s15+$0x0], $0xffff;
	v2 =	vbroadcast v2, $0x0;
	v7 =	vmul.f32 v7, v13  }
0x81: {  	v26 =	vor.u32 $0xF, v4;
	v12 =	vld.idx.msk [tilespmem:v12+s15+$0x0], $0xffff;
	v8 =	vmul.f32 v24, v8;
	v21 =	vmul.f32 v18, v41  }
0x82: {  	v27 =	vor.u32 $0xB, v4;
	v15 =	vld.idx.msk [tilespmem:v15+s15+$0x0], $0xffff;
	v13 =	vmul.f32 v24, v13;
	v18 =	vmul.f32 v18, v16  }
0x83: {  	v43 =	vor.u32 $0xC, v4;
	v17 =	vld.idx.msk [tilespmem:v17+s15+$0x0], $0xffff;
	v9 =	vmul.f32 v39, v21;
	v6 =	vmul.f32 v6, v21  }
0x84: {  	v28 =	vor.u32 $0xD, v4;
	v14 =	vld.idx.msk [tilespmem:v42+s15+$0x0], $0xffff;
	v29 =	vmul.f32 v7, v41;
	v44 =	vmul.f32 v19, v18  }
0x85: {  	v45 =	vld.idx.msk [tilespmem:v20+s15+$0x0], $0xffff;
	v10 =	vmul.f32 v10, v18;
	v4 =	vadd.f32 $0.0e+00, v9;
	v6 =	vadd.f32 $0.0e+00, v6  }
0x86: {  	v46 =	vld.idx.msk [tilespmem:v22+s15+$0x0], $0xffff;
	v7 =	vmul.f32 v7, v16;
	v12 =	vmul.f32 v12, v29  }
0x87: {  	v47 =	vld.idx.msk [tilespmem:v25+s15+$0x0], $0xffff;
	v48 =	vmul.f32 v15, v29;
	v9 =	vadd.f32 v44, v4;
	v6 =	vadd.f32 v10, v6  }
0x88: {  	v49 =	vld.idx.msk [tilespmem:v27+s15+$0x0], $0xffff;
	v50 =	vmul.f32 v8, v41;
	v51 =	vmul.f32 v17, v7  }
0x89: {  	v52 =	vld.idx.msk [tilespmem:v43+s15+$0x0], $0xffff;
	v7 =	vmul.f32 v14, v7;
	v9 =	vadd.f32 v12, v9;
	v6 =	vadd.f32 v48, v6  }
0x8a: {  	v56 =	vshll.u32 v5, $0x7;
	v53 =	vld.idx.msk [tilespmem:v28+s15+$0x0], $0xffff;
	v8 =	vmul.f32 v8, v16;
	v54 =	vmul.f32 v45, v50  }
0x8b: {  	v55 =	vld.idx.msk [tilespmem:v23+s15+$0x0], $0xffff;
	v9 =	vadd.f32 v51, v9;
	v6 =	vadd.f32 v7, v6;
	v7 =	vmul.f32 v46, v50  }
0x8c: {  	v57 =	vld.idx.msk [tilespmem:v26+s15+$0x0], $0xffff;
	v62 =	vor.u32 v3, v56;
	v11 =	vmul.f32 v13, v41;
	v58 =	vmul.f32 v47, v8  }
0x8d: {  	s31 =	simm.s32 $0x10;
	v9 =	vadd.f32 v54, v9;
	v6 =	vadd.f32 v7, v6;
	v7 =	vmul.f32 v49, v8  }
0x8e: {  	v59 =	vmul.f32 v52, v11;
	v4 =	vor.u32 s31, v1;
	v8 =	vmul.f32 v13, v16  }
0x8f: {  	v9 =	vadd.f32 v58, v9;
	v6 =	vadd.f32 v7, v6;
	v7 =	vmul.f32 v53, v11  }
0x90: {  	v60 =	vor.u32 v2, v56;
	v5 =	vshll.u32 v4, $0x4;
	v61 =	vmul.f32 v55, v8  }
0x91: {  	v9 =	vadd.f32 v59, v9;
	v6 =	vadd.f32 v7, v6;
	v7 =	vmul.f32 v57, v8  }
0x92: {  	v63 =	vor.u32 $0x5, v5  }
0x93: {  	v8 =	vadd.f32 v61, v9;
	v6 =	vadd.f32 v7, v6;
	v7 =	vor.u32 $0x1, v5;
	_ =	sdelay $0x1  }
0x94: {  	[tilespmem:v60+s19+$0x0] =	vst.idx.msk $0xffff, v8  }
0x95: {  	[tilespmem:v62+s19+$0x0] =	vst.idx.msk $0xffff, v6  }
0x96: {  	s28 =	simm.s32 $0x20;
	v6 =	vld.idx.msk [tilespmem:v63+s15+$0x0], $0xffff  }
.LBB2_6:
0x97: {  	p0 =	sne.s32 s28, $0xF0;
	v7 =	vld.idx.msk [tilespmem:v7+s15+$0x0], $0xffff;
	s26 =	sadd.s32 $0x10, s26  }
0x98: {  	v8 =	vld [tilespmem:s26+$0x100]  }
0x99: {  	v10 =	vor.u32 $0x2, v5;
	v9 =	vld [tilespmem:s26+$0xFFFFFF00]  }
0x9a: {  	v12 =	vor.u32 $0x3, v5;
	v11 =	vld.idx.msk [tilespmem:v5+s15+$0x0], $0xffff  }
0x9b: {  	v14 =	vor.u32 $0x4, v5;
	v13 =	vld [tilespmem:s26+$0xFFFFFD00]  }
0x9c: {  	v15 =	vld [tilespmem:s26+$0x0]  }
0x9d: {  	v17 =	vor.u32 $0x6, v5;
	v16 =	vld [tilespmem:s26+$0xFFFFFE00]  }
0x9e: {  	v19 =	vor.u32 $0x7, v5;
	v18 =	vmul.f32 v8, v9;
	v10 =	vld.idx.msk [tilespmem:v10+s15+$0x0], $0xffff  }
0x9f: {  	v20 =	vor.u32 $0x8, v5;
	v12 =	vld.idx.msk [tilespmem:v12+s15+$0x0], $0xffff  }
0xa0: {  	v22 =	vor.u32 $0x9, v5;
	v23 =	vor.u32 $0xE, v5;
	v21 =	vmul.f32 v18, v13;
	v14 =	vld.idx.msk [tilespmem:v14+s15+$0x0], $0xffff  }
0xa1: {  	v25 =	vor.u32 $0xA, v5;
	v26 =	vor.u32 $0xF, v5;
	v24 =	vld [tilespmem:s26+$0x200];
	v8 =	vmul.f32 v8, v15  }
0xa2: {  	v27 =	vor.u32 $0xB, v5;
	v18 =	vmul.f32 v18, v16;
	v11 =	vmul.f32 v11, v21;
	v17 =	vld.idx.msk [tilespmem:v17+s15+$0x0], $0xffff  }
0xa3: {  	v7 =	vmul.f32 v7, v21;
	v21 =	vor.u32 $0xC, v5;
	v5 =	vor.u32 $0xD, v5;
	v19 =	vld.idx.msk [tilespmem:v19+s15+$0x0], $0xffff  }
0xa4: {  	v28 =	vmul.f32 v8, v13;
	v11 =	vadd.f32 $0.0e+00, v11;
	v10 =	vmul.f32 v10, v18;
	v20 =	vld.idx.msk [tilespmem:v20+s15+$0x0], $0xffff  }
0xa5: {  	v8 =	vmul.f32 v8, v16;
	v7 =	vadd.f32 $0.0e+00, v7;
	v12 =	vmul.f32 v12, v18;
	v18 =	vld.idx.msk [tilespmem:v22+s15+$0x0], $0xffff  }
0xa6: {  	v9 =	vmul.f32 v24, v9;
	v10 =	vadd.f32 v10, v11;
	v11 =	vmul.f32 v14, v28;
	v14 =	vld.idx.msk [tilespmem:v25+s15+$0x0], $0xffff  }
0xa7: {  	v22 =	vor.u32 s28, v1;
	v6 =	vmul.f32 v6, v28;
	v7 =	vadd.f32 v12, v7;
	v12 =	vld.idx.msk [tilespmem:v27+s15+$0x0], $0xffff  }
0xa8: {  	v25 =	vmul.f32 v9, v13;
	v10 =	vadd.f32 v11, v10;
	v11 =	vmul.f32 v17, v8;
	v17 =	vld.idx.msk [tilespmem:v21+s15+$0x0], $0xffff  }
0xa9: {  	v15 =	vmul.f32 v24, v15;
	v6 =	vadd.f32 v6, v7;
	v7 =	vmul.f32 v19, v8;
	v8 =	vld.idx.msk [tilespmem:v5+s15+$0x0], $0xffff  }
0xaa: {  	v9 =	vmul.f32 v9, v16;
	v5 =	vadd.f32 v11, v10;
	v10 =	vmul.f32 v20, v25;
	v11 =	vld.idx.msk [tilespmem:v23+s15+$0x0], $0xffff  }
0xab: {  	v19 =	vshll.u32 v4, $0x7;
	v4 =	vmovc v22;
	v6 =	vadd.f32 v7, v6;
	v7 =	vmul.f32 v18, v25;
	v18 =	vld.idx.msk [tilespmem:v26+s15+$0x0], $0xffff  }
0xac: {  	v13 =	vmul.f32 v15, v13;
	v14 =	vmul.f32 v14, v9;
	v10 =	vadd.f32 v10, v5  }
0xad: {  	v5 =	vshll.u32 v4, $0x4;
	v6 =	vadd.f32 v7, v6;
	v7 =	vmul.f32 v12, v9  }
0xae: {  	v9 =	vmul.f32 v15, v16;
	v12 =	vmul.f32 v17, v13;
	v10 =	vadd.f32 v14, v10  }
0xaf: {  	v6 =	vadd.f32 v7, v6;
	v7 =	vmul.f32 v8, v13;
	v8 =	vor.u32 v2, v19  }
0xb0: {  	v11 =	vmul.f32 v11, v9;
	v10 =	vadd.f32 v12, v10;
	v12 =	vor.u32 v3, v19  }
0xb1: {  	v13 =	vor.u32 $0x5, v5;
	v6 =	vadd.f32 v7, v6;
	v9 =	vmul.f32 v18, v9  }
.Ltmp1:
0xb2: {  	v7 =	vor.u32 $0x1, v5;
	v10 =	vadd.f32 v11, v10;
	(pc) =	sbr.rel @p0 .LBB2_6-.Ltmp1, $4  }
0xb3: {  	v6 =	vadd.f32 v9, v6  }
0xb4: {  	[tilespmem:v8+s19+$0x0] =	vst.idx.msk $0xffff, v10  }
0xb5: {  	[tilespmem:v12+s19+$0x0] =	vst.idx.msk $0xffff, v6  }
0xb6: {  	s28 =	sadd.s32 $0x10, s28;
	v6 =	vld.idx.msk [tilespmem:v13+s15+$0x0], $0xffff  }
0xb7: {  	_ =	sdelay $0x3  }
0xb8: {  	v7 =	vld.idx.msk [tilespmem:v7+s15+$0x0], $0xffff;
	s0 =	sadd.s32 $0x10, s26  }
0xb9: {  	v8 =	vld [tilespmem:s0+$0x100]  }
0xba: {  	v9 =	vld [tilespmem:s0+$0xFFFFFF00]  }
0xbb: {  	v10 =	vor.u32 $0x2, v5;
	v11 =	vld.idx.msk [tilespmem:v5+s15+$0x0], $0xffff  }
0xbc: {  	v12 =	vor.u32 $0x3, v5;
	v13 =	vld [tilespmem:s0+$0xFFFFFD00]  }
0xbd: {  	v14 =	vor.u32 $0x4, v5;
	v15 =	vld [tilespmem:s0+$0x0]  }
0xbe: {  	v16 =	vld [tilespmem:s0+$0xFFFFFE00]  }
0xbf: {  	v17 =	vor.u32 $0x6, v5;
	v24 =	vld [tilespmem:s0+$0x200];
	v18 =	vmul.f32 v8, v9  }
0xc0: {  	v19 =	vor.u32 $0x7, v5;
	v10 =	vld.idx.msk [tilespmem:v10+s15+$0x0], $0xffff  }
0xc1: {  	v20 =	vor.u32 $0x8, v5;
	v22 =	vor.u32 $0x9, v5;
	v12 =	vld.idx.msk [tilespmem:v12+s15+$0x0], $0xffff;
	v21 =	vmul.f32 v18, v13  }
0xc2: {  	v23 =	vor.u32 $0xE, v5;
	v25 =	vor.u32 $0xA, v5;
	v14 =	vld.idx.msk [tilespmem:v14+s15+$0x0], $0xffff;
	v8 =	vmul.f32 v8, v15  }
0xc3: {  	v26 =	vor.u32 $0xB, v5;
	v18 =	vmul.f32 v18, v16;
	v11 =	vmul.f32 v11, v21  }
0xc4: {  	v41 =	vor.u32 $0xC, v5;
	v27 =	vor.u32 $0xD, v5;
	v17 =	vld.idx.msk [tilespmem:v17+s15+$0x0], $0xffff;
	v7 =	vmul.f32 v7, v21  }
0xc5: {  	v19 =	vld.idx.msk [tilespmem:v19+s15+$0x0], $0xffff;
	v28 =	vmul.f32 v8, v13;
	v10 =	vmul.f32 v10, v18;
	v11 =	vadd.f32 $0.0e+00, v11  }
0xc6: {  	v20 =	vld.idx.msk [tilespmem:v20+s15+$0x0], $0xffff;
	v9 =	vmul.f32 v24, v9;
	v12 =	vmul.f32 v12, v18;
	v7 =	vadd.f32 $0.0e+00, v7  }
0xc7: {  	v42 =	vld.idx.msk [tilespmem:v22+s15+$0x0], $0xffff;
	v8 =	vmul.f32 v8, v16;
	v43 =	vmul.f32 v14, v28;
	v10 =	vadd.f32 v10, v11  }
0xc8: {  	v44 =	vor.u32 $0xF, v5;
	v45 =	vld.idx.msk [tilespmem:v25+s15+$0x0], $0xffff;
	v6 =	vmul.f32 v6, v28;
	v7 =	vadd.f32 v12, v7  }
0xc9: {  	v46 =	vld.idx.msk [tilespmem:v26+s15+$0x0], $0xffff;
	v47 =	vmul.f32 v9, v13;
	v48 =	vmul.f32 v17, v8;
	v10 =	vadd.f32 v43, v10  }
0xca: {  	v49 =	vld.idx.msk [tilespmem:v41+s15+$0x0], $0xffff;
	v15 =	vmul.f32 v24, v15;
	v50 =	vmul.f32 v19, v8;
	v6 =	vadd.f32 v6, v7  }
0xcb: {  	v51 =	vld.idx.msk [tilespmem:v27+s15+$0x0], $0xffff;
	v9 =	vmul.f32 v9, v16;
	v52 =	vmul.f32 v20, v47;
	v10 =	vadd.f32 v48, v10  }
0xcc: {  	v53 =	vld.idx.msk [tilespmem:v23+s15+$0x0], $0xffff;
	v54 =	vmul.f32 v42, v47;
	v6 =	vadd.f32 v50, v6  }
0xcd: {  	v5 =	vld.idx.msk [tilespmem:v44+s15+$0x0], $0xffff;
	v13 =	vmul.f32 v15, v13;
	v55 =	vmul.f32 v45, v9;
	v10 =	vadd.f32 v52, v10  }
0xce: {  	v4 =	vshll.u32 v4, $0x7;
	v56 =	vmul.f32 v46, v9;
	v6 =	vadd.f32 v54, v6  }
0xcf: {  	v57 =	vmul.f32 v15, v16;
	v58 =	vmul.f32 v49, v13;
	v10 =	vadd.f32 v55, v10  }
0xd0: {  	s25 =	sadd.s32 $0x1, s25;
	v2 =	vor.u32 v2, v4;
	v59 =	vmul.f32 v51, v13;
	v6 =	vadd.f32 v56, v6  }
0xd1: {  	v3 =	vor.u32 v3, v4;
	p0 =	sne.s32 s25, $0x40;
	v61 =	vmul.f32 v53, v57;
	v60 =	vadd.f32 v58, v10  }
.Ltmp2:
0xd2: {  	v5 =	vmul.f32 v5, v57;
	v62 =	vadd.f32 v59, v6;
	(pc) =	sbr.rel @p0 .LBB2_3-.Ltmp2, $4  }
0xd3: {  	v63 =	vadd.f32 v61, v60  }
0xd4: {  	v4 =	vadd.f32 v5, v62  }
0xd5: {  	[tilespmem:v2+s19+$0x0] =	vst.idx.msk $0xffff, v63  }
0xd6: {  	[tilespmem:v3+s19+$0x0] =	vst.idx.msk $0xffff, v4  }
0xd7: {  	s22 =	sadd.s32 $0x1, s22  }
0xd8: {  	s0 =	sshll.u32 s23, $0x4;
	p0 =	sne.s32 s22, $0x10  }
.Ltmp3:
0xd9: {  	s0 =	sadd.s32 s1, s0;
	(pc) =	sbr.rel @p0 .LBB2_2-.Ltmp3, $4  }
0xda: {  	[hbm4b:s0+s2] =	stream.linear.scatter [tilespmem:s19], [sflag:$0x3], $0x8000, $0x38;
	[tilespmem:$0x9A00] =	vst v63  }
0xdb: {  	_ =	swait.ge [sflag:s20], $0x8000  }
0xdc: {  	[sflag:s20] =	ssyncset.done $0x0  }
0xdd: {  	[sflag:s20] =	ssyncadd.s32 $0xFFFF8000  }
0xde: {  	s21 =	sadd.s32 $0x1, s21  }
0xdf: {  	p0 =	sne.s32 s21, s9  }
.Ltmp4:
0xe0: {  	_ = 	snop;
	(pc) =	sbr.rel @p0 .LBB2_1-.Ltmp4, $1  }
0xe1: {  	_ =	sdelay $0x3  }
0xe2: {  	_ =	sfence.sel $0x180000  }
0xe3: {  	[bflag:$0x0] =	sbarrier.arrive $0xFFFF  }
0xe4: {  	_ =	strace $0x9000004D  }
0xe5: {  	[bflag:$0x2] =	sbarrier.arrive $0xFFFF  }
0xe6: {  	p0 =	sne.s32 s3, $0x0;
	s0 =	rddreg [dreg:$0x2]  }
0xe7: {  	s0 =	sadd.s32 @!p0 $0x100000, s0  }
0xe8: {  	[sflag:s0] =	ssyncadd.tile.s32 @!p0 $0x1;
	_ =	shalt  }
.Lfunc_end2:
_tile_overlayer_lowered:
.L_overlay_start_2:
0xe9: {  	(tag) =	ssettag $0x2  }
0xea: {  	s0 =	rddreg [dreg:$0x0];
	s2 =	stileid.u32  }
0xeb: {  	s1 =	rddreg [dreg:$0x1];
	p0 =	sne.s32 s2, $0x0  }
0xec: {  	s3 =	rddreg [dreg:$0x2];
	[bflag:$0x3] =	sbarrier.arrive $0xFFFF;
	s2 =	simm.s32 @!p0 $0x1C03  }
0xed: {  	[timem:s3], [sflag:s2] =	dma.local @!p0 [hbm:s0], s1  }
0xee: {  	s0 =	simm.s32 @!p0 $0x3  }
0xef: {  	_ =	swait.ge @!p0 [sflag:s0], s1  }
0xf0: {  	s1 =	ssub.s32 @!p0 $0x0, s1;
	[sflag:s0] =	ssyncset.done @!p0 $0x0  }
0xf1: {  	[sflag:s0] =	ssyncadd.s32 @!p0 s1  }
0xf2: {  	[bflag:$0x3] =	sbarrier.arrive $0xFFFF  }
0xf3: {  	_ =	shalt  }

// kernel: sparse-core-data-format-call.1.cloned.1.call-start
scs
called_computation.1_lowered:
.L_overlay_start_0:
0x0: {  	s1 =	sld [smem:$0x3FD9]  }
0x1: {  	s2 =	sld [smem:$0x3FFE];
	_ =	sdelay $0x1  }
0x2: {  	s3 =	srdreg.scid  }
0x3: {  	s0 =	sand.u32 $0x1, s3  }
0x4: {  	s17 =	sshll.u32 s0, $0xA;
	s1 =	sadd.s32 s2, s1  }
0x5: {  	s1 =	sadd.s32 s1, s17  }
0x6: {  	[smem:$0x3FC5] =	sst s1  }
0x7: {  	_ = 	snop  }
0x8: {  	(tm) =	ssettm $0x1  }
0x9: {  	s18 =	sld [smem:$0x3FFB];
	_ =	sdelay $0x3  }
0xa: {  	_ =	strace s18  }
0xb: {  	s1 =	sld [smem:$0x3FFC];
	_ =	sdelay $0x3  }
0xc: {  	_ =	strace s1  }
0xd: {  	s1 =	sld [smem:$0x3FFD];
	_ =	sdelay $0x3  }
0xe: {  	_ =	strace s1  }
0xf: {  	_ =	strace $0x8FFFFFFF  }
0x10: {  	s19 =	sld [smem:$0x3FDB];
	_ =	sdelay $0x1  }
0x11: {  	s20 =	simm.s32 $_scs_section_size  }
0x12: {  	s4 =	simm.s32 $_size__tile_overlayer_lowered;
	s5 =	simm.s32 $_tile_overlayer_lowered  }
0x13: {  	s23 =	simm.s32 $0x1BFF;
	s22 =	sshll.u32 s5, $0x1;
	s1 =	sadd.s32 s20, s19  }
0x14: {  	s6 =	simm.s32 $0x0;
	s21 =	sshll.u32 s4, $0x1;
	s4 =	sadd.s32 s22, s1  }
0x15: {  	[timem:s6], [sflag:s23] =	dma.local [hbm:s4], s21  }
0x16: {  	_ =	swait.ge [sflag:s23], s21  }
0x17: {  	s2 =	ssub.s32 $0x0, s21;
	[sflag:s23] =	ssyncset.done $0x0  }
0x18: {  	[sflag:s23] =	ssyncadd.s32 s2;
	_ =	sdelay $0x1  }
0x19: {  	s24 =	simm.s32 $0x1B8B  }
0x1a: {  	_ =	swait.ge [sflag:s24], $0x1  }
0x1b: {  	[sflag:s24] =	ssyncset.done $0x0  }
0x1c: {  	s26 =	simm.s32 $0x1B8E;
	s25 =	sld [smem:$0x3FFE];
	[sflag:s24] =	ssyncadd.s32 $0xFFFFFFFF  }
0x1d: {  	s27 =	simm.s32 $execute0_lowered;
	[smem:$0x3FD2] =	sst s26  }
0x1e: {  	s4 =	sshll.u32 s27, $0x1;
	_ =	strace $0x80000046;
	[dreg:$0x1] =	wrdreg $0xFFFFFFFF  }
0x1f: {  	s28 =	simm.s32 $_size_execute0_lowered;
	s1 =	sadd.s32 s1, s4;
	[dreg:$0x0] =	wrdreg $0x0  }
0x20: {  	s4 =	sshll.u32 s28, $0x1;
	[dreg:$0x2] =	wrdreg s1  }
0x21: {  	[dreg:$0x3] =	wrdreg s4  }
0x22: {  	[dreg:$0x4] =	wrdreg $0xC0  }
0x23: {  	_ =	task [dreg:s6], $0x5FFFF  }
0x24: {  	[dreg:$0x1] =	wrdreg $0xFFFFFFFF  }
0x25: {  	[dreg:$0x0] =	wrdreg $0x60  }
0x26: {  	[dreg:$0x2] =	wrdreg s25  }
0x27: {  	[dreg:$0x3] =	wrdreg $0x9  }
0x28: {  	_ =	task.clear_ibuf [dreg:s6], $0x4FFFF;
	_ =	strace $0x90000046  }
0x29: {  	s29 =	simm.s32 $0x9;
	_ =	strace $0x80000048  }
0x2a: {  	_ =	swait.ge [sflag:s29], $0x1  }
0x2b: {  	[sflag:s29] =	ssyncadd.s32 $0xFFFFFFFF  }
0x2c: {  	_ =	strace $0x90000048  }
0x2d: {  	_ =	sfence  }
0x2e: {  	s30 =	sld [smem:$0x0];
	_ =	sdelay $0x2  }
0x2f: {  	s31 =	sshll.u32 s3, $0xD;
	s3 =	sshrl.u32 s3, $0x2  }
0x30: {  	s2 =	sand.u32 $0x4000, s31;
	s1 =	sadd.s32 s3, s30  }
0x31: {  	s0 =	sor.u32 s2, s0;
	s1 =	sshll.u32 s1, $0x11  }
0x32: {  	s0 =	sor.u32 s1, s0  }
0x33: {  	s0 =	sadd.s32 $0x8F2B, s0  }
0x34: {  	[sflag:s0] =	ssyncadd.remote.s32 $0x1  }
0x35: {  	_ =	sfence.sel $0xFFFF  }
0x36: {  	[dreg:$0x0] =	wrdreg $0xFFFFFFFF;
	(pc) =	sbr.abs _section_cstart, $3  }
0x37: {  	[dreg:$0x1] =	wrdreg $0xFFFFFFFF  }
0x38: {  	_ =	task.clear_ibuf [dreg:s6], $0x2FFFF;
	_ =	strace $0x9FFFFFFF  }
0x39: {  	(tm) =	ssettm $0x7FFFFFFF  }
tec
execute0_lowered:
.L_overlay_start_1:
0x0: {  	(tag) =	ssettag $0x1  }
0x1: {  	s3 =	rddreg [dreg:$0x0]  }
0x2: {  	s0 =	rddreg [dreg:$0x1]  }
0x3: {  	s1 =	srdreg.scid;
	_ =	strace $0x80000047;
	s7 =	simm.s32 $0x2  }
0x4: {  	s14 =	simm.s32 $0x0;
	p0 =	por $0x0, $0x0;
	s8 =	simm.s32 $0x80  }
0x5: {  	s15 =	simm.s32 $0x0;
	s16 =	simm.s32 $0x0;
	s17 =	simm.s32 $0x0  }
0x6: {  	s10 =	simm.s32 $0x0;
	s11 =	simm.s32 $0x0;
	s9 =	simm.s32 $0x0  }
.Ltmp0:
0x7: {  	s4 =	sshll.u32 s1, $0x4;
	s2 =	sadd.s32 $0x1002000, s3;
	(pc) =	sbr.rel .LBB1_1-.Ltmp0, $4  }
0x8: {  	s1 =	stileid.u32;
	s3 =	sadd.s32 $0x5002000, s3;
	s4 =	sand.u32 $0x10, s4  }
0x9: {  	s5 =	sand.u32 $0x7, s1;
	s6 =	sor.u32 s1, s4;
	s4 =	simm.s32 $0x1  }
0xa: {  	s13 =	smov.u32 s5;
	[sflag:s4] =	ssyncpa.u1 $0x0;
	s6 =	sshrl.u32 s6, $0x3  }
0xb: {  	[sflag:s7] =	ssyncpa.u1 $0x0;
	s7 =	simm.s32 $0x40;
	s12 =	smov.u32 s6  }
.LBB1_7:
0xc: {  	s18 =	sadd.s32 $0x4, s10  }
0xd: {  	s14 =	simm.s32 $0x1;
	p2 =	sgt.s32 s18, $0x3F  }
0xe: {  	s14 =	simm.s32 @!p2 $0x0  }
0xf: {  	s19 =	sadd.s32 s14, s11  }
0x10: {  	s20 =	smov.u32 s12;
	s14 =	sadd.s32 $0x4, s12;
	p3 =	sgt.s32 s19, $0x1  }
0x11: {  	s20 =	smov.u32 @p3 s14  }
0x12: {  	s21 =	smov.u32 s13;
	s14 =	sadd.s32 $0x8, s13;
	p4 =	sgt.s32 s20, $0x3F  }
0x13: {  	p1 =	slt.u32 s9, $0x2;
	s21 =	smov.u32 @p4 s14  }
0x14: {  	s9 =	sadd.s32 $0x1, s9;
	s18 =	simm.s32 @p2 $0x0;
	p2 =	sgt.s32 s21, $0x7  }
0x15: {  	s22 =	simm.s32 @!p1 $0x2;
	s21 =	smov.u32 @p2 s5;
	p2 =	sne.s32 s9, $0x202  }
.Ltmp1:
0x16: {  	s15 =	smov.u32 s11;
	_ =	swait.ge @!p1 [sflag:s22], $0x4000;
	(pc) =	sbr.rel @!p2 .LBB1_8-.Ltmp1, $4  }
0x17: {  	s16 =	smov.u32 s12;
	s17 =	smov.u32 s13;
	[sflag:s22] =	ssyncset.done @!p1 $0x0  }
0x18: {  	p0 =	por !p0, !p0;
	[sflag:s22] =	ssyncadd.s32 @!p1 $0xFFFFC000;
	s19 =	simm.s32 @p3 $0x0  }
0x19: {  	s11 =	smov.u32 s19;
	s20 =	smov.u32 @p4 s6;
	s14 =	smov.u32 s10  }
0x1a: {  	s10 =	smov.u32 s18;
	s12 =	smov.u32 s20;
	s13 =	smov.u32 s21  }
.LBB1_1:
0x1b: {  	p1 =	sgt.u32 s9, $0x1FF  }
0x1c: {  	s18 =	sshll.u32 @!p1 s13, $0x17  }
0x1d: {  	s19 =	sxor.u32 @!p1 $0xFFFFFFFF, s9;
	s20 =	sshll.u32 @!p1 s12, $0x11;
	s18 =	sadd.s32 @!p1 s2, s18  }
0x1e: {  	s21 =	sshll.u32 @!p1 s11, $0x10;
	s19 =	sshll.u32 @!p1 s19, $0xE;
	s18 =	sadd.s32 @!p1 s20, s18  }
0x1f: {  	s19 =	sand.u32 @!p1 $0x4000, s19;
	s20 =	sshll.u32 @!p1 s10, $0xA;
	s18 =	sadd.s32 @!p1 s21, s18  }
0x20: {  	s21 =	simm.s32 @!p1 $0x80;
	s18 =	sadd.s32 @!p1 s20, s18;
	s20 =	simm.s32 @!p1 $0x40  }
0x21: {  	[tilespmem:s19], [sflag:$0x1] =	stream.strided.gather @!p1 [hbm4b:s18+s20], $0x4000, s21, s20, $0x38;
	[tilespmem:$0x10000] =	vst v63  }
0x22: {  	p1 =	seq.s32 s9, $0x0  }
0x23: {  	p2 =	seq.s32 @!p1 s9, $0x201  }
0x24: {  	p1 =	por p1, p2  }
.Ltmp2:
0x25: {  	_ = 	snop;
	(pc) =	sbr.rel @p1 .LBB1_7-.Ltmp2, $1  }
0x26: {  	_ =	sdelay $0x3  }
0x27: {  	s18 =	simm.s32 $0x1;
	_ =	swait.ge [sflag:s4], $0x4000;
	s21 =	sshll.u32 s9, $0xE  }
0x28: {  	s18 =	simm.s32 @!p0 $0x0;
	[sflag:s4] =	ssyncset.done $0x0;
	s31 =	sand.u32 $0x4000, s21  }
0x29: {  	s21 =	simm.s32 $0x0;
	s18 =	sshll.u32 s18, $0xE;
	[sflag:s4] =	ssyncadd.s32 $0xFFFFC000  }
0x2a: {  	s19 =	sor.u32 $0x8020, s18;
	s20 =	sor.u32 $0x20, s18;
	s18 =	sor.u32 $0x8000, s31  }
.LBB1_3:
0x2b: {  	v1 =	vmov s20;
	_ =	sdelay $0x3  }
0x2c: {  	s22 =	simm.s32 $0x0  }
0x2d: {  	v3 =	vld.idx.msk [tilespmem:v1+s22+$0x10 ss:$0x1], $0xffff  }
0x2e: {  	v0 =	vmov s19;
	v4 =	vld.idx.msk [tilespmem:v1+s22+$0xFFFFFFE0 ss:$0x1], $0xffff  }
0x2f: {  	v2 =	vld.idx.msk [tilespmem:v1+s22+$0xFFFFFFF0 ss:$0x1], $0xffff  }
0x30: {  	s23 =	simm.s32 $0x100;
	v5 =	vld.idx.msk [tilespmem:v1+s22+$0x0 ss:$0x1], $0xffff  }
.LBB1_4:
0x31: {  	p1 =	sne.s32 s23, $0x3F00  }
.Ltmp3:
0x32: {  	s24 =	sshra.s32 s23, $0x2;
	s23 =	sadd.s32 $0x100, s23;
	(pc) =	sbr.rel @p1 .LBB1_4-.Ltmp3, $4  }
0x33: {  	[tilespmem:v0+s22+$0x10 ss:$0x1] =	vst.idx.msk $0xffff, v3;
	v3 =	vld.idx.msk [tilespmem:v1+s24+$0x10 ss:$0x1], $0xffff  }
0x34: {  	[tilespmem:v0+s22+$0xFFFFFFE0 ss:$0x1] =	vst.idx.msk $0xffff, v4;
	v4 =	vld.idx.msk [tilespmem:v1+s24+$0xFFFFFFE0 ss:$0x1], $0xffff  }
0x35: {  	[tilespmem:v0+s22+$0xFFFFFFF0 ss:$0x1] =	vst.idx.msk $0xffff, v2;
	v2 =	vld.idx.msk [tilespmem:v1+s24+$0xFFFFFFF0 ss:$0x1], $0xffff  }
0x36: {  	[tilespmem:v0+s22+$0x0 ss:$0x1] =	vst.idx.msk $0xffff, v5;
	v5 =	vld.idx.msk [tilespmem:v1+s24+$0x0 ss:$0x1], $0xffff;
	s22 =	smov.u32 s24  }
0x37: {  	_ = 	snop  }
0x38: {  	s21 =	sadd.s32 $0x1, s21  }
0x39: {  	p1 =	sne.s32 s21, $0x4  }
.Ltmp4:
0x3a: {  	_ = 	snop;
	(pc) =	sbr.rel @p1 .LBB1_3-.Ltmp4, $4  }
0x3b: {  	[tilespmem:v0+s22+$0x10 ss:$0x1] =	vst.idx.msk $0xffff, v3  }
0x3c: {  	[tilespmem:v0+s22+$0xFFFFFFE0 ss:$0x1] =	vst.idx.msk $0xffff, v4  }
0x3d: {  	[tilespmem:v0+s22+$0xFFFFFFF0 ss:$0x1] =	vst.idx.msk $0xffff, v2  }
0x3e: {  	s19 =	sadd.s32 $0x1000, s19;
	s20 =	sadd.s32 $0x1000, s20;
	[tilespmem:v0+s22+$0x0 ss:$0x1] =	vst.idx.msk $0xffff, v5  }
0x3f: {  	s17 =	sshll.u32 s17, $0x17  }
.Ltmp5:
0x40: {  	s16 =	sshll.u32 s16, $0x10;
	s17 =	sadd.s32 s3, s17;
	(pc) =	sbr.rel .LBB1_7-.Ltmp5, $4  }
0x41: {  	s15 =	sshll.u32 s15, $0x16;
	s16 =	sadd.s32 s16, s17  }
0x42: {  	s14 =	sshll.u32 s14, $0xA;
	s15 =	sadd.s32 s15, s16  }
0x43: {  	s14 =	sadd.s32 s14, s15  }
0x44: {  	[hbm4b:s14+s7] =	stream.strided.scatter [tilespmem:s18], [sflag:$0x2], $0x4000, s8, s7, $0x38;
	[tilespmem:$0x10000] =	vst v63  }
.LBB1_8:
0x45: {  	_ =	sfence.sel $0x180000  }
0x46: {  	s2 =	simm.s32 $0x1;
	[bflag:$0x0] =	sbarrier.arrive $0xFFFF  }
0x47: {  	s31 =	simm.s32 $0x2;
	[sflag:s2] =	ssyncpa.u1 $0x1  }
0x48: {  	[sflag:s31] =	ssyncpa.u1 $0x1  }
0x49: {  	p0 =	sne.s32 s1, $0x0;
	_ =	strace $0x90000047  }
0x4a: {  	s0 =	sadd.s32 @!p0 $0x100000, s0;
	[bflag:$0x2] =	sbarrier.arrive $0xFFFF  }
0x4b: {  	[sflag:s0] =	ssyncadd.tile.s32 @!p0 $0x1;
	_ =	shalt  }
.Lfunc_end1:
_tile_overlayer_lowered:
.L_overlay_start_2:
0x4c: {  	(tag) =	ssettag $0x2  }
0x4d: {  	s0 =	rddreg [dreg:$0x0];
	s2 =	stileid.u32  }
0x4e: {  	s1 =	rddreg [dreg:$0x1];
	p0 =	sne.s32 s2, $0x0  }
0x4f: {  	s3 =	rddreg [dreg:$0x2];
	[bflag:$0x3] =	sbarrier.arrive $0xFFFF;
	s2 =	simm.s32 @!p0 $0x1C01  }
0x50: {  	[timem:s3], [sflag:s2] =	dma.local @!p0 [hbm:s0], s1  }
0x51: {  	s0 =	simm.s32 @!p0 $0x1  }
0x52: {  	_ =	swait.ge @!p0 [sflag:s0], s1  }
0x53: {  	s1 =	ssub.s32 @!p0 $0x0, s1;
	[sflag:s0] =	ssyncset.done @!p0 $0x0  }
0x54: {  	[sflag:s0] =	ssyncadd.s32 @!p0 s1  }
0x55: {  	[bflag:$0x3] =	sbarrier.arrive $0xFFFF  }
0x56: {  	_ =	shalt  }

// kernel: sparse-core-data-format-call.cloned.1.call-start
scs
called_computation_lowered:
.L_overlay_start_0:
0x0: {  	s1 =	sld [smem:$0x3FD9]  }
0x1: {  	s2 =	sld [smem:$0x3FFE];
	_ =	sdelay $0x1  }
0x2: {  	s3 =	srdreg.scid  }
0x3: {  	s0 =	sand.u32 $0x1, s3  }
0x4: {  	s17 =	sshll.u32 s0, $0xA;
	s1 =	sadd.s32 s2, s1  }
0x5: {  	s1 =	sadd.s32 s1, s17  }
0x6: {  	[smem:$0x3FC5] =	sst s1  }
0x7: {  	_ = 	snop  }
0x8: {  	(tm) =	ssettm $0x1  }
0x9: {  	s18 =	sld [smem:$0x3FFB];
	_ =	sdelay $0x3  }
0xa: {  	_ =	strace s18  }
0xb: {  	s1 =	sld [smem:$0x3FFC];
	_ =	sdelay $0x3  }
0xc: {  	_ =	strace s1  }
0xd: {  	s1 =	sld [smem:$0x3FFD];
	_ =	sdelay $0x3  }
0xe: {  	_ =	strace s1  }
0xf: {  	_ =	strace $0x8FFFFFFF  }
0x10: {  	s19 =	sld [smem:$0x3FDB];
	_ =	sdelay $0x1  }
0x11: {  	s20 =	simm.s32 $_scs_section_size  }
0x12: {  	s4 =	simm.s32 $_size__tile_overlayer_lowered;
	s5 =	simm.s32 $_tile_overlayer_lowered  }
0x13: {  	s23 =	simm.s32 $0x1BFF;
	s22 =	sshll.u32 s5, $0x1;
	s1 =	sadd.s32 s20, s19  }
0x14: {  	s6 =	simm.s32 $0x0;
	s21 =	sshll.u32 s4, $0x1;
	s4 =	sadd.s32 s22, s1  }
0x15: {  	[timem:s6], [sflag:s23] =	dma.local [hbm:s4], s21  }
0x16: {  	_ =	swait.ge [sflag:s23], s21  }
0x17: {  	s2 =	ssub.s32 $0x0, s21;
	[sflag:s23] =	ssyncset.done $0x0  }
0x18: {  	[sflag:s23] =	ssyncadd.s32 s2;
	_ =	sdelay $0x1  }
0x19: {  	s24 =	simm.s32 $0x1B8B  }
0x1a: {  	_ =	swait.ge [sflag:s24], $0x1  }
0x1b: {  	[sflag:s24] =	ssyncset.done $0x0  }
0x1c: {  	s26 =	simm.s32 $0x1B8E;
	s25 =	sld [smem:$0x3FFE];
	[sflag:s24] =	ssyncadd.s32 $0xFFFFFFFF  }
0x1d: {  	s27 =	simm.s32 $execute0_lowered;
	[smem:$0x3FD2] =	sst s26  }
0x1e: {  	s4 =	sshll.u32 s27, $0x1;
	_ =	strace $0x80000049;
	[dreg:$0x1] =	wrdreg $0xFFFFFFFF  }
0x1f: {  	s28 =	simm.s32 $_size_execute0_lowered;
	s1 =	sadd.s32 s1, s4;
	[dreg:$0x0] =	wrdreg $0x0  }
0x20: {  	s4 =	sshll.u32 s28, $0x1;
	[dreg:$0x2] =	wrdreg s1  }
0x21: {  	[dreg:$0x3] =	wrdreg s4  }
0x22: {  	[dreg:$0x4] =	wrdreg $0xC0  }
0x23: {  	_ =	task [dreg:s6], $0x5FFFF  }
0x24: {  	[dreg:$0x1] =	wrdreg $0xFFFFFFFF  }
0x25: {  	[dreg:$0x0] =	wrdreg $0x60  }
0x26: {  	[dreg:$0x2] =	wrdreg s25  }
0x27: {  	[dreg:$0x3] =	wrdreg $0x9  }
0x28: {  	_ =	task.clear_ibuf [dreg:s6], $0x4FFFF;
	_ =	strace $0x90000049  }
0x29: {  	s29 =	simm.s32 $0x9;
	_ =	strace $0x8000004B  }
0x2a: {  	_ =	swait.ge [sflag:s29], $0x1  }
0x2b: {  	[sflag:s29] =	ssyncadd.s32 $0xFFFFFFFF  }
0x2c: {  	_ =	strace $0x9000004B  }
0x2d: {  	_ =	sfence  }
0x2e: {  	s30 =	sld [smem:$0x0];
	_ =	sdelay $0x2  }
0x2f: {  	s31 =	sshll.u32 s3, $0xD;
	s3 =	sshrl.u32 s3, $0x2  }
0x30: {  	s2 =	sand.u32 $0x4000, s31;
	s1 =	sadd.s32 s3, s30  }
0x31: {  	s0 =	sor.u32 s2, s0;
	s1 =	sshll.u32 s1, $0x11  }
0x32: {  	s0 =	sor.u32 s1, s0  }
0x33: {  	s0 =	sadd.s32 $0x8F2B, s0  }
0x34: {  	[sflag:s0] =	ssyncadd.remote.s32 $0x1  }
0x35: {  	_ =	sfence.sel $0xFFFF  }
0x36: {  	[dreg:$0x0] =	wrdreg $0xFFFFFFFF;
	(pc) =	sbr.abs _section_cstart, $3  }
0x37: {  	[dreg:$0x1] =	wrdreg $0xFFFFFFFF  }
0x38: {  	_ =	task.clear_ibuf [dreg:s6], $0x2FFFF;
	_ =	strace $0x9FFFFFFF  }
0x39: {  	(tm) =	ssettm $0x7FFFFFFF  }
tec
execute0_lowered:
.L_overlay_start_1:
0x0: {  	(tag) =	ssettag $0x1  }
0x1: {  	s0 =	srdreg.scid  }
0x2: {  	s2 =	stileid.u32;
	s0 =	sshll.u32 s0, $0x4  }
0x3: {  	s1 =	rddreg [dreg:$0x0];
	_ =	strace $0x8000004A;
	s0 =	sand.u32 $0x10, s0  }
0x4: {  	s31 =	simm.s32 $0x1;
	s5 =	simm.s32 $0x2;
	s0 =	sor.u32 s2, s0  }
0x5: {  	s13 =	simm.s32 $0x0;
	s10 =	simm.s32 $0x0;
	s6 =	sshll.u32 s0, $0xA  }
0x6: {  	s7 =	sadd.s32 $0x9002000, s1;
	s1 =	sadd.s32 $0xB002000, s1;
	s0 =	ssub.s32 $0x1000000, s6  }
0x7: {  	s11 =	simm.s32 $0x0;
	[dreg:$0x4] =	wrdreg s1;
	s4 =	sand.u32 $0x7C00, s0  }
.Ltmp0:
0x8: {  	p0 =	sne.s32 s4, $0x0;
	s4 =	simm.s32 $0x1;
	(pc) =	sbr.rel .LBB1_1-.Ltmp0, $4  }
0x9: {  	[dreg:$0x3] =	wrdreg s7;
	s0 =	sshrl.u32 s0, $0xF;
	s4 =	simm.s32 @!p0 $0x0  }
0xa: {  	[sflag:s31] =	ssyncpa.u1 $0x0;
	[dreg:$0x2] =	wrdreg s6;
	s8 =	sadd.s32 s4, s0  }
0xb: {  	[sflag:s5] =	ssyncpa.u1 $0x0;
	s9 =	sadd.s32 $0x1, s8;
	[dreg:$0x5] =	wrdreg s8  }
0xc: {  	s2 =	simm.s32 $0x0;
	s12 =	smov.u32 s6;
	[dreg:$0x6] =	wrdreg s9  }
.LBB1_7:
0xd: {  	s0 =	sadd.s32 $0x8000, s12  }
0xe: {  	s2 =	sadd.s32 $0x10, s10;
	s3 =	smov.u32 s10;
	p1 =	sgt.s32 s0, $0xFFFFFF  }
0xf: {  	s3 =	smov.u32 @p1 s2  }
0x10: {  	s0 =	smov.u32 @p1 s6;
	p1 =	sgt.s32 s3, $0xF  }
0x11: {  	s3 =	simm.s32 @p1 $0x0;
	p1 =	sne.s32 s11, s9  }
.Ltmp1:
0x12: {  	p0 =	slt.u32 s11, $0x2;
	(pc) =	sbr.rel @!p1 .LBB1_8-.Ltmp1, $4  }
0x13: {  	s1 =	simm.s32 @!p0 $0x2  }
0x14: {  	s13 =	smov.u32 s12;
	_ =	swait.ge @!p0 [sflag:s1], $0x4000  }
0x15: {  	s2 =	smov.u32 s10;
	[sflag:s1] =	ssyncset.done @!p0 $0x0;
	s12 =	smov.u32 s0  }
0x16: {  	s11 =	sadd.s32 $0x1, s11;
	[sflag:s1] =	ssyncadd.s32 @!p0 $0xFFFFC000;
	s10 =	smov.u32 s3  }
.LBB1_1:
0x17: {  	p0 =	sge.u32 s11, s8;
	s31 =	sadd.s32 $0xFFFFFFFF, s11  }
0x18: {  	s0 =	sand.u32 @!p0 $0x78, s12;
	s1 =	sshll.u32 @!p0 s10, $0x18;
	s4 =	sshll.u32 @!p0 s10, $0x7  }
0x19: {  	s5 =	sshll.u32 @!p0 s12, $0x3;
	s1 =	sand.u32 @!p0 $0x8000000, s1;
	s4 =	sand.u32 @!p0 $0x380, s4  }
0x1a: {  	s1 =	sadd.s32 @!p0 s1, s5;
	s5 =	sand.u32 @!p0 $0xFFFC00, s5;
	s0 =	sor.u32 @!p0 s4, s0  }
0x1b: {  	s4 =	sxor.u32 @!p0 $0xFFFFFFFF, s11;
	s1 =	sand.u32 @!p0 $0xF000000, s1;
	s0 =	sor.u32 @!p0 s5, s0  }
0x1c: {  	s4 =	sshll.u32 @!p0 s4, $0xE;
	s0 =	sor.u32 @!p0 s1, s0;
	s1 =	sand.u32 @!p0 $0x7, s12  }
0x1d: {  	s5 =	simm.s32 @!p0 $0x8000000;
	s0 =	sshrl.u32 @!p0 s0, $0x3;
	s1 =	sshll.u32 @!p0 s1, $0x12  }
0x1e: {  	s4 =	sand.u32 @!p0 $0x4000, s4;
	s0 =	sadd.s32 @!p0 s7, s0;
	s1 =	sor.u32 @!p0 $0x2000, s1  }
0x1f: {  	[tilespmem:s4], [sflag:$0x1] =	stream.strided.gather @!p0 [hbm4b:s0+s1], $0x4000, s5, s1, $0x38;
	[tilespmem:$0x10800] =	vst v63  }
0x20: {  	p0 =	sge.u32 s31, s8  }
.Ltmp2:
0x21: {  	_ = 	snop;
	(pc) =	sbr.rel @p0 .LBB1_7-.Ltmp2, $1  }
0x22: {  	_ =	sdelay $0x3  }
0x23: {  	[dreg:$0x9] =	wrdreg s13  }
0x24: {  	[dreg:$0x8] =	wrdreg s2;
	s0 =	sand.u32 $0x1, s11  }
0x25: {  	[dreg:$0x7] =	wrdreg s12;
	s31 =	simm.s32 $0x1;
	s1 =	smul.u32 $0x11000, s0  }
0x26: {  	_ =	swait.ge [sflag:s31], $0x4000  }
0x27: {  	s16 =	simm.s32 $0x0;
	[sflag:s31] =	ssyncset.done $0x0;
	s1 =	sshrl.u32 s1, $0x2  }
0x28: {  	s15 =	sshll.u32 s0, $0xE;
	[sflag:s31] =	ssyncadd.s32 $0xFFFFC000;
	s14 =	sor.u32 $0x8000, s1  }
.LBB1_3:
0x29: {  	s0 =	sshll.u32 s16, $0xA  }
0x2a: {  	s1 =	sshll.u32 s16, $0x7;
	s0 =	sand.u32 $0x2000, s0  }
0x2b: {  	s1 =	sand.u32 $0x380, s1;
	s0 =	sadd.s32 s0, s15  }
0x2c: {  	s0 =	sadd.s32 s1, s0  }
0x2d: {  	s17 =	sadd.s32 s16, s14;
	p0 =	por $0x1, $0x1;
	s18 =	simm.s32 $0x0;
	v0 =	vmov s0  }
.LBB1_4:
0x2e: {  	s0 =	smul.u32 $0x44, s18;
	s1 =	sshll.u32 s18, $0x3;
	s4 =	sor.u32 $0x80, s18  }
0x2f: {  	s9 =	sor.u32 $0x90, s18;
	s22 =	sor.u32 $0xA0, s18;
	s25 =	sor.u32 $0xB0, s18  }
0x30: {  	s2 =	sor.u32 $0xC0, s18;
	s3 =	sor.u32 $0xD0, s18;
	s7 =	smul.u32 $0x44, s4  }
0x31: {  	p1 =	por p0, p0;
	s29 =	sand.u32 $0x3FFFFFF8, s1;
	s13 =	smul.u32 $0x44, s9  }
0x32: {  	s8 =	sshll.u32 s4, $0x3;
	s21 =	sshll.u32 s9, $0x3;
	s5 =	smul.u32 $0x44, s22  }
0x33: {  	s24 =	sshll.u32 s22, $0x3;
	s27 =	smul.u32 $0x44, s25;
	s28 =	sshll.u32 s25, $0x3  }
0x34: {  	s4 =	sshll.u32 s2, $0x3;
	s25 =	smul.u32 $0x44, s3;
	s0 =	sshra.s32 s0, $0x2  }
0x35: {  	s30 =	sand.u32 $0x3FFFFFF8, s8;
	s31 =	sand.u32 $0x1400, s21;
	s1 =	sand.u32 $0x1400, s24  }
0x36: {  	s24 =	smul.u32 $0x44, s2;
	s8 =	sand.u32 $0x1400, s4;
	s0 =	sadd.s32 s0, s14  }
0x37: {  	s12 =	sshra.s32 s7, $0x2;
	s23 =	sshra.s32 s13, $0x2;
	s26 =	sshra.s32 s5, $0x2  }
0x38: {  	s5 =	sshra.s32 s27, $0x2;
	s7 =	sshll.u32 s3, $0x3;
	s9 =	sshra.s32 s25, $0x2  }
0x39: {  	s3 =	sor.u32 $0x100, s18;
	v55 =	vld.idx.msk [tilespmem:v0+s31+$0x10 ss:$0x1], $0xffff;
	s31 =	sor.u32 $0x140, s18;
	s19 =	sadd.s32 s16, s0  }
0x3a: {  	s20 =	sadd.s32 s12, s17;
	s21 =	sadd.s32 s23, s17;
	s22 =	sadd.s32 s26, s17  }
0x3b: {  	s0 =	sand.u32 $0x1400, s28;
	s23 =	sadd.s32 s5, s17;
	s6 =	sshra.s32 s24, $0x2  }
0x3c: {  	v1 =	vld.idx.msk [tilespmem:v0+s29+$0x0 ss:$0x1], $0xffff;
	s26 =	sor.u32 $0xE0, s18;
	s5 =	sand.u32 $0x1400, s7;
	s25 =	sadd.s32 s9, s17  }
0x3d: {  	v2 =	vld.idx.msk [tilespmem:v0+s29+$0x10 ss:$0x1], $0xffff;
	s28 =	sor.u32 $0xF0, s18;
	s24 =	sadd.s32 s6, s17;
	s27 =	smul.u32 $0x44, s26  }
0x3e: {  	v3 =	vld.idx.msk [tilespmem:v0+s29+$0x20 ss:$0x1], $0xffff;
	s12 =	sshll.u32 s26, $0x3;
	s2 =	smul.u32 $0x44, s28;
	s28 =	sshll.u32 s28, $0x3  }
0x3f: {  	s6 =	smul.u32 $0x44, s3;
	s3 =	sshll.u32 s3, $0x3;
	s4 =	sand.u32 $0x1400, s12  }
0x40: {  	v4 =	vld.idx.msk [tilespmem:v0+s29+$0x30 ss:$0x1], $0xffff;
	s7 =	sand.u32 $0x1400, s28;
	s3 =	sand.u32 $0x3FFFFFF8, s3;
	s13 =	sshra.s32 s27, $0x2  }
0x41: {  	v5 =	vld.idx.msk [tilespmem:v0+s29+$0x40 ss:$0x1], $0xffff;
	s27 =	sshra.s32 s2, $0x2;
	s2 =	sor.u32 $0x110, s18;
	s28 =	sshra.s32 s6, $0x2;
	[tilespmem:s19+$0x0 ss:$0x11] =	vst.msk $0xffff, v1  }
0x42: {  	v1 =	vld.idx.msk [tilespmem:v0+s29+$0x50 ss:$0x1], $0xffff;
	[tilespmem:s19+$0x110 ss:$0x11] =	vst.msk $0xffff, v2;
	s26 =	sadd.s32 s13, s17;
	s27 =	sadd.s32 s27, s17;
	s6 =	smul.u32 $0x44, s2  }
0x43: {  	v2 =	vld.idx.msk [tilespmem:v0+s29+$0x60 ss:$0x1], $0xffff;
	[tilespmem:s19+$0x220 ss:$0x11] =	vst.msk $0xffff, v3;
	s28 =	sadd.s32 s28, s17;
	s2 =	sshll.u32 s2, $0x3;
	s13 =	sor.u32 $0x120, s18  }
0x44: {  	v3 =	vld.idx.msk [tilespmem:v0+s29+$0x70 ss:$0x1], $0xffff;
	[tilespmem:s21+$0x0 ss:$0x11] =	vst.msk $0xffff, v55;
	s21 =	sor.u32 $0x170, s18;
	s2 =	sand.u32 $0x1800, s2;
	s12 =	smul.u32 $0x44, s13  }
0x45: {  	v54 =	vld.idx.msk [tilespmem:v0+s30+$0x0 ss:$0x1], $0xffff;
	[tilespmem:s19+$0x330 ss:$0x11] =	vst.msk $0xffff, v4;
	s9 =	sshll.u32 s13, $0x3;
	s13 =	sor.u32 $0x130, s18;
	s6 =	sshra.s32 s6, $0x2  }
0x46: {  	[tilespmem:s19+$0x440 ss:$0x11] =	vst.msk $0xffff, v5;
	s29 =	sadd.s32 s6, s17;
	s6 =	sand.u32 $0x1800, s9;
	s12 =	sshra.s32 s12, $0x2  }
0x47: {  	s9 =	smul.u32 $0x44, s13;
	s13 =	sshll.u32 s13, $0x3;
	s30 =	sadd.s32 s12, s17;
	[tilespmem:s19+$0x550 ss:$0x11] =	vst.msk $0xffff, v1;
	v1 =	vld.idx.msk [tilespmem:v0+s1+$0x20 ss:$0x1], $0xffff  }
0x48: {  	s1 =	sand.u32 $0x1800, s13;
	s12 =	smul.u32 $0x44, s31;
	[tilespmem:s19+$0x660 ss:$0x11] =	vst.msk $0xffff, v2;
	v2 =	vld.idx.msk [tilespmem:v0+s0+$0x30 ss:$0x1], $0xffff;
	s13 =	sshll.u32 s31, $0x3  }
0x49: {  	s31 =	sor.u32 $0x150, s18;
	[tilespmem:s19+$0x770 ss:$0x11] =	vst.msk $0xffff, v3;
	v3 =	vld.idx.msk [tilespmem:v0+s8+$0x40 ss:$0x1], $0xffff;
	s9 =	sshra.s32 s9, $0x2;
	s8 =	sand.u32 $0x1800, s13  }
0x4a: {  	v56 =	vld.idx.msk [tilespmem:v0+s5+$0x50 ss:$0x1], $0xffff;
	[tilespmem:s20+$0x0 ss:$0x11] =	vst.msk $0xffff, v54;
	s19 =	smul.u32 $0x44, s31;
	s20 =	sshll.u32 s31, $0x3;
	s31 =	sor.u32 $0x160, s18  }
0x4b: {  	v57 =	vld.idx.msk [tilespmem:v0+s4+$0x60 ss:$0x1], $0xffff;
	s0 =	sadd.s32 s9, s17;
	s12 =	sshra.s32 s12, $0x2;
	s4 =	sand.u32 $0x1800, s20  }
0x4c: {  	s5 =	sadd.s32 s12, s17;
	s12 =	sshra.s32 s19, $0x2;
	s19 =	smul.u32 $0x44, s31  }
0x4d: {  	s20 =	sshll.u32 s31, $0x3;
	s31 =	sor.u32 $0x180, s18;
	[tilespmem:s22+$0x0 ss:$0x11] =	vst.msk $0xffff, v1;
	v1 =	vld.idx.msk [tilespmem:v0+s7+$0x70 ss:$0x1], $0xffff;
	s7 =	sadd.s32 s12, s17  }
0x4e: {  	[tilespmem:s23+$0x0 ss:$0x11] =	vst.msk $0xffff, v2;
	v2 =	vld.idx.msk [tilespmem:v0+s3+$0x0 ss:$0x1], $0xffff;
	s3 =	sand.u32 $0x1800, s20;
	s22 =	sshra.s32 s19, $0x2;
	s23 =	smul.u32 $0x44, s21  }
0x4f: {  	[tilespmem:s24+$0x0 ss:$0x11] =	vst.msk $0xffff, v3;
	v3 =	vld.idx.msk [tilespmem:v0+s2+$0x10 ss:$0x1], $0xffff;
	s24 =	sshll.u32 s21, $0x3;
	s20 =	smul.u32 $0x44, s31;
	s21 =	sshll.u32 s31, $0x3  }
0x50: {  	[tilespmem:s25+$0x0 ss:$0x11] =	vst.msk $0xffff, v56;
	v58 =	vld.idx.msk [tilespmem:v0+s6+$0x20 ss:$0x1], $0xffff;
	s2 =	sadd.s32 s22, s17;
	s6 =	sand.u32 $0x1800, s24;
	s22 =	sor.u32 $0x190, s18  }
0x51: {  	[tilespmem:s26+$0x0 ss:$0x11] =	vst.msk $0xffff, v57;
	v59 =	vld.idx.msk [tilespmem:v0+s1+$0x30 ss:$0x1], $0xffff;
	s19 =	sshra.s32 s23, $0x2;
	s23 =	sand.u32 $0x3FFFFFF8, s21;
	s24 =	sshra.s32 s20, $0x2  }
0x52: {  	s25 =	smul.u32 $0x44, s22;
	s1 =	sadd.s32 s19, s17;
	s19 =	sor.u32 $0x1B0, s18;
	[tilespmem:s27+$0x0 ss:$0x11] =	vst.msk $0xffff, v1;
	v1 =	vld.idx.msk [tilespmem:v0+s8+$0x40 ss:$0x1], $0xffff  }
0x53: {  	s26 =	sshll.u32 s22, $0x3;
	s22 =	sshll.u32 s19, $0x3;
	[tilespmem:s28+$0x0 ss:$0x11] =	vst.msk $0xffff, v2;
	v2 =	vld.idx.msk [tilespmem:v0+s4+$0x50 ss:$0x1], $0xffff;
	s4 =	sadd.s32 s24, s17  }
0x54: {  	s27 =	sor.u32 $0x1A0, s18;
	[tilespmem:s29+$0x0 ss:$0x11] =	vst.msk $0xffff, v3;
	v3 =	vld.idx.msk [tilespmem:v0+s3+$0x60 ss:$0x1], $0xffff;
	s28 =	sand.u32 $0x1C00, s26;
	s29 =	sshra.s32 s25, $0x2  }
0x55: {  	[tilespmem:s30+$0x0 ss:$0x11] =	vst.msk $0xffff, v58;
	v60 =	vld.idx.msk [tilespmem:v0+s6+$0x70 ss:$0x1], $0xffff;
	s24 =	sand.u32 $0x1C00, s22;
	s25 =	sor.u32 $0x1C0, s18;
	s26 =	smul.u32 $0x44, s19  }
0x56: {  	[tilespmem:s0+$0x0 ss:$0x11] =	vst.msk $0xffff, v59;
	v61 =	vld.idx.msk [tilespmem:v0+s23+$0x0 ss:$0x1], $0xffff;
	s31 =	smul.u32 $0x44, s27;
	s6 =	sadd.s32 s29, s17;
	s13 =	sshll.u32 s27, $0x3  }
0x57: {  	s27 =	sshll.u32 s25, $0x3;
	s19 =	smul.u32 $0x44, s25;
	s20 =	sand.u32 $0x1C00, s13;
	[tilespmem:s5+$0x0 ss:$0x11] =	vst.msk $0xffff, v1;
	v1 =	vld.idx.msk [tilespmem:v0+s28+$0x10 ss:$0x1], $0xffff  }
0x58: {  	s29 =	sand.u32 $0x1C00, s27;
	s21 =	sshra.s32 s31, $0x2;
	[tilespmem:s7+$0x0 ss:$0x11] =	vst.msk $0xffff, v2;
	v2 =	vld.idx.msk [tilespmem:v0+s20+$0x20 ss:$0x1], $0xffff;
	s28 =	sor.u32 $0x1D0, s18  }
0x59: {  	s31 =	sor.u32 $0x1E0, s18;
	s23 =	sadd.s32 s21, s17;
	[tilespmem:s2+$0x0 ss:$0x11] =	vst.msk $0xffff, v3;
	v3 =	vld.idx.msk [tilespmem:v0+s24+$0x30 ss:$0x1], $0xffff;
	s30 =	sshll.u32 s28, $0x3  }
0x5a: {  	[tilespmem:s1+$0x0 ss:$0x11] =	vst.msk $0xffff, v60;
	v62 =	vld.idx.msk [tilespmem:v0+s29+$0x40 ss:$0x1], $0xffff;
	s13 =	sshll.u32 s31, $0x3;
	s18 =	sor.u32 $0x1F0, s18;
	s12 =	sand.u32 $0x1C00, s30  }
0x5b: {  	[tilespmem:s4+$0x0 ss:$0x11] =	vst.msk $0xffff, v61;
	s20 =	sand.u32 $0x1C00, s13;
	s24 =	smul.u32 $0x44, s31;
	s21 =	sshll.u32 s18, $0x3;
	v63 =	vld.idx.msk [tilespmem:v0+s12+$0x50 ss:$0x1], $0xffff  }
0x5c: {  	s0 =	sshra.s32 s26, $0x2;
	s22 =	smul.u32 $0x44, s28;
	s2 =	sand.u32 $0x1C00, s21;
	[tilespmem:s6+$0x0 ss:$0x11] =	vst.msk $0xffff, v1;
	v1 =	vld.idx.msk [tilespmem:v0+s20+$0x60 ss:$0x1], $0xffff  }
0x5d: {  	s0 =	sadd.s32 s0, s17;
	s26 =	smul.u32 $0x44, s18;
	[tilespmem:s23+$0x0 ss:$0x11] =	vst.msk $0xffff, v2;
	v2 =	vld.idx.msk [tilespmem:v0+s2+$0x70 ss:$0x1], $0xffff;
	s23 =	sshra.s32 s19, $0x2  }
.Ltmp3:
0x5e: {  	s1 =	sshra.s32 s22, $0x2;
	[tilespmem:s0+$0x0 ss:$0x11] =	vst.msk $0xffff, v3;
	s25 =	sadd.s32 s23, s17;
	(pc) =	sbr.rel @p1 .LBB1_4-.Ltmp3, $4  }
0x5f: {  	s28 =	sshra.s32 s24, $0x2;
	s27 =	sadd.s32 s1, s17;
	[tilespmem:s25+$0x0 ss:$0x11] =	vst.msk $0xffff, v62  }
0x60: {  	s29 =	sadd.s32 s28, s17;
	s30 =	sshra.s32 s26, $0x2;
	[tilespmem:s27+$0x0 ss:$0x11] =	vst.msk $0xffff, v63  }
0x61: {  	s31 =	sadd.s32 s30, s17;
	[tilespmem:s29+$0x0 ss:$0x11] =	vst.msk $0xffff, v1  }
0x62: {  	p0 =	por $0x0, $0x0;
	s18 =	simm.s32 $0x200;
	[tilespmem:s31+$0x0 ss:$0x11] =	vst.msk $0xffff, v2  }
0x63: {  	s16 =	sadd.s32 $0x1, s16  }
0x64: {  	p0 =	sne.s32 s16, $0x10  }
.Ltmp4:
0x65: {  	_ = 	snop;
	(pc) =	sbr.rel @p0 .LBB1_3-.Ltmp4, $1  }
0x66: {  	_ =	sdelay $0x3  }
0x67: {  	s0 =	rddreg [dreg:$0x9]  }
0x68: {  	s3 =	rddreg [dreg:$0x8]  }
0x69: {  	s29 =	rddreg [dreg:$0x4]  }
0x6a: {  	s31 =	simm.s32 $0x80;
	s6 =	rddreg [dreg:$0x2]  }
0x6b: {  	s7 =	rddreg [dreg:$0x3];
	s0 =	sshll.u32 s0, $0x7;
	s1 =	sshll.u32 s3, $0x3  }
0x6c: {  	s8 =	rddreg [dreg:$0x5];
	s2 =	sand.u32 $0x7FFFFC00, s0;
	s1 =	sand.u32 $0x7FFFFC00, s1  }
0x6d: {  	s9 =	rddreg [dreg:$0x6];
	s0 =	sand.u32 $0x380, s0;
	s1 =	sadd.s32 s1, s2  }
.Ltmp5:
0x6e: {  	s27 =	sshrl.u32 s3, $0x3;
	s0 =	sor.u32 s0, s1;
	(pc) =	sbr.rel .LBB1_7-.Ltmp5, $4  }
0x6f: {  	s28 =	sand.u32 $0x7, s3;
	s1 =	sand.u32 $0xF, s27;
	s0 =	sshrl.u32 s0, $0x3  }
0x70: {  	s2 =	sshll.u32 s28, $0x12;
	s1 =	sadd.s32 s29, s1;
	s0 =	sand.u32 $0xFFFFFF0, s0  }
0x71: {  	s12 =	rddreg [dreg:$0x7];
	s30 =	sor.u32 $0x10, s2;
	s0 =	sadd.s32 s0, s1  }
0x72: {  	[hbm4b:s0+s30] =	stream.strided.scatter [tilespmem:s14], [sflag:$0x2], $0x4000, s31, s30, $0x8;
	[tilespmem:$0x10800] =	vst v63  }
.LBB1_8:
0x73: {  	_ =	sfence.sel $0x180000  }
0x74: {  	s0 =	simm.s32 $0x1;
	[bflag:$0x0] =	sbarrier.arrive $0xFFFF  }
0x75: {  	s30 =	simm.s32 $0x2;
	[sflag:s0] =	ssyncpa.u1 $0x1  }
0x76: {  	[sflag:s30] =	ssyncpa.u1 $0x1  }
0x77: {  	_ =	strace $0x9000004A  }
0x78: {  	s31 =	stileid.u32;
	[bflag:$0x2] =	sbarrier.arrive $0xFFFF  }
0x79: {  	p0 =	sne.s32 s31, $0x0;
	s0 =	rddreg [dreg:$0x1]  }
0x7a: {  	s0 =	sadd.s32 @!p0 $0x100000, s0  }
0x7b: {  	[sflag:s0] =	ssyncadd.tile.s32 @!p0 $0x1;
	_ =	shalt  }
.Lfunc_end1:
_tile_overlayer_lowered:
.L_overlay_start_2:
0x7c: {  	(tag) =	ssettag $0x2  }
0x7d: {  	s0 =	rddreg [dreg:$0x0];
	s2 =	stileid.u32  }
0x7e: {  	s1 =	rddreg [dreg:$0x1];
	p0 =	sne.s32 s2, $0x0  }
0x7f: {  	s3 =	rddreg [dreg:$0x2];
	[bflag:$0x3] =	sbarrier.arrive $0xFFFF;
	s2 =	simm.s32 @!p0 $0x1C01  }
0x80: {  	[timem:s3], [sflag:s2] =	dma.local @!p0 [hbm:s0], s1  }
0x81: {  	s0 =	simm.s32 @!p0 $0x1  }
0x82: {  	_ =	swait.ge @!p0 [sflag:s0], s1  }
0x83: {  	s1 =	ssub.s32 @!p0 $0x0, s1;
	[sflag:s0] =	ssyncset.done @!p0 $0x0  }
0x84: {  	[sflag:s0] =	ssyncadd.s32 @!p0 s1  }
0x85: {  	[bflag:$0x3] =	sbarrier.arrive $0xFFFF  }
0x86: {  	_ =	shalt  }

</sc_bundles>
